<compile_context>
chip_gen: v7x
topology: tpu7x:2x2x1
jax: 0.10.2.dev20260603
libtpu: 0.0.44.dev20260713+nightly
codegen_flags: <defaults>
</compile_context>

<pallas_src>
import functools

import jax
import jax.numpy as jnp
from jax import lax
from jax.experimental import pallas as pl
from jax.experimental.pallas import tpu as pltpu
from jax.experimental.pallas import tpu_sc as plsc

N = 10000
D = 128
E = 320000

NC = 2
NS = 16
L = 16

N_PAD = 10112
CH = 128
CHUNKS_PER_TILE = 79
E_TILE = CH * CHUNKS_PER_TILE
E_PAD = E_TILE * NC * NS
NRB = 3

STRIPE = 640

_mesh = plsc.VectorSubcoreMesh(core_axis_name="c", subcore_axis_name="s")


@functools.partial(
    pl.kernel,
    out_type=jax.ShapeDtypeStruct((NC, N_PAD), jnp.float32),
    mesh=_mesh,
    scratch_types=[
        pltpu.VMEM((CHUNKS_PER_TILE, CH), jnp.int32),
        pltpu.VMEM((STRIPE,), jnp.float32),
        pltpu.VMEM((CH,), jnp.float32),
        pltpu.VMEM_SHARED((N_PAD,), jnp.float32),
        pltpu.SemaphoreType.DMA,
    ],
)
def _deg_call(col3_hbm, out_hbm, idx_v, zstage_v, ones_v, deg_sh, sem):
    c = lax.axis_index("c")
    s = lax.axis_index("s")
    wid = c * NS + s
    srows = jnp.where(s < NS - 1, STRIPE, N_PAD - (NS - 1) * STRIPE)

    idx_cp = pltpu.async_copy(col3_hbm.at[wid], idx_v, sem)

    def _zero(i, _):
        zstage_v[pl.ds(i * L, L)] = jnp.zeros((L,), jnp.float32)
        return 0
    lax.fori_loop(0, STRIPE // L, _zero, 0)

    @pl.when(s < NS - 1)
    def _():
        pltpu.sync_copy(zstage_v, deg_sh.at[pl.ds(s * STRIPE, STRIPE)])

    @pl.when(s == NS - 1)
    def _():
        pltpu.sync_copy(zstage_v.at[pl.ds(0, N_PAD - (NS - 1) * STRIPE)],
                        deg_sh.at[pl.ds((NS - 1) * STRIPE,
                                        N_PAD - (NS - 1) * STRIPE)])

    def _ones(i, _):
        ones_v[pl.ds(i * L, L)] = jnp.full((L,), 1.0, jnp.float32)
        return 0
    lax.fori_loop(0, CH // L, _ones, 0)

    idx_cp.wait()
    plsc.subcore_barrier()

    def _step(j, _):
        pltpu.async_copy(ones_v, deg_sh.at[idx_v.at[j]], sem, add=True)
        return 0
    lax.fori_loop(0, CHUNKS_PER_TILE, _step, 0)

    def _drain(j, _):
        pltpu.make_async_copy(ones_v, deg_sh.at[idx_v.at[0]], sem).wait()
        return 0
    lax.fori_loop(0, CHUNKS_PER_TILE, _drain, 0)

    plsc.subcore_barrier()

    @pl.when(s < NS - 1)
    def _():
        pltpu.sync_copy(deg_sh.at[pl.ds(s * STRIPE, STRIPE)],
                        out_hbm.at[c, pl.ds(s * STRIPE, STRIPE)])

    @pl.when(s == NS - 1)
    def _():
        pltpu.sync_copy(deg_sh.at[pl.ds((NS - 1) * STRIPE,
                                        N_PAD - (NS - 1) * STRIPE)],
                        out_hbm.at[c, pl.ds((NS - 1) * STRIPE,
                                            N_PAD - (NS - 1) * STRIPE)])


@functools.partial(
    pl.kernel,
    out_type=jax.ShapeDtypeStruct((NC, N_PAD, D), jnp.float32),
    mesh=_mesh,
    scratch_types=[
        pltpu.VMEM((NRB, CH), jnp.int32),
        pltpu.VMEM((NRB + 1, CH), jnp.int32),
        pltpu.VMEM((NRB, CH, D), jnp.float32),
        pltpu.VMEM_SHARED((N_PAD, D), jnp.float32),
        pltpu.SemaphoreType.DMA,
        pltpu.SemaphoreType.DMA,
        pltpu.SemaphoreType.DMA,
    ],
)
def _edge_call(g_hbm, row3_hbm, col3_hbm, out_hbm, ridx_v, cidx_v, rows_v,
               acc_sh, gsem, ssem, isem):
    c = lax.axis_index("c")
    s = lax.axis_index("s")
    wid = c * NS + s
    last = CHUNKS_PER_TILE - 1
    nwch = jnp.where(s < NS - 1, STRIPE // CH, 4)

    pltpu.sync_copy(row3_hbm.at[wid, 0], ridx_v.at[0])
    pltpu.sync_copy(col3_hbm.at[wid, 0], cidx_v.at[0])
    pltpu.async_copy(row3_hbm.at[wid, 1], ridx_v.at[1], isem)
    pltpu.async_copy(col3_hbm.at[wid, 1], cidx_v.at[1], isem)

    def _zero(i, _):
        rows_v[0, i // (D // L), pl.ds((i % (D // L)) * L, L)] = (
            jnp.zeros((L,), jnp.float32))
        return 0
    lax.fori_loop(0, CH * (D // L), _zero, 0)

    def _zchunk(k, _):
        pltpu.async_copy(rows_v.at[0],
                         acc_sh.at[pl.ds(s * STRIPE + k * CH, CH)], gsem)
        return 0
    lax.fori_loop(0, nwch, _zchunk, 0)

    def _zdrain(k, _):
        pltpu.make_async_copy(rows_v.at[0], acc_sh.at[pl.ds(0, CH)], gsem).wait()
        return 0
    lax.fori_loop(0, nwch, _zdrain, 0)

    plsc.subcore_barrier()

    pltpu.async_copy(g_hbm.at[ridx_v.at[0]], rows_v.at[0], gsem)

    def _step(j, _):
        buf = jax.lax.rem(j, NRB)
        buf1 = jax.lax.rem(j + 1, NRB)
        rt = jax.lax.rem(j, NRB)
        rt1 = jax.lax.rem(j + 1, NRB)
        rt2 = jax.lax.rem(j + 2, NRB)
        ct = jax.lax.rem(j, NRB + 1)
        ct1 = jax.lax.rem(j + 1, NRB + 1)
        ct2 = jax.lax.rem(j + 2, NRB + 1)

        pltpu.make_async_copy(g_hbm.at[ridx_v.at[rt]], rows_v.at[buf],
                              gsem).wait()

        @pl.when(j > 1)
        def _():
            pltpu.make_async_copy(rows_v.at[buf1],
                                  acc_sh.at[cidx_v.at[ct]], ssem).wait()

        @pl.when(j + 2 <= last)
        def _():
            pltpu.async_copy(row3_hbm.at[wid, j + 2], ridx_v.at[rt2], isem)
            pltpu.async_copy(col3_hbm.at[wid, j + 2], cidx_v.at[ct2], isem)

        @pl.when(j < last)
        def _():
            pltpu.make_async_copy(row3_hbm.at[wid, 0], ridx_v.at[rt1], isem).wait()
            pltpu.make_async_copy(col3_hbm.at[wid, 0], cidx_v.at[ct1], isem).wait()
            pltpu.async_copy(g_hbm.at[ridx_v.at[rt1]], rows_v.at[buf1], gsem)

        pltpu.async_copy(rows_v.at[buf], acc_sh.at[cidx_v.at[ct]], ssem,
                         add=True)
        return 0
    lax.fori_loop(0, CHUNKS_PER_TILE, _step, 0)
    pltpu.make_async_copy(rows_v.at[0], acc_sh.at[cidx_v.at[0]], ssem).wait()
    pltpu.make_async_copy(rows_v.at[0], acc_sh.at[cidx_v.at[0]], ssem).wait()

    plsc.subcore_barrier()

    def _wchunk(k, _):
        r0 = s * STRIPE + k * CH
        pltpu.async_copy(acc_sh.at[pl.ds(r0, CH)], out_hbm.at[c, pl.ds(r0, CH)],
                         gsem)
        return 0
    lax.fori_loop(0, nwch, _wchunk, 0)

    def _wdrain(k, _):
        pltpu.make_async_copy(acc_sh.at[pl.ds(0, CH)],
                              out_hbm.at[c, pl.ds(0, CH)], gsem).wait()
        return 0
    lax.fori_loop(0, nwch, _wdrain, 0)


def _tc_transform_body(x_ref, w_ref, degp_ref, g_ref):
    deg = degp_ref[0] + degp_ref[1]
    dis = jnp.where(deg > 0, lax.rsqrt(deg), 0.0)
    h = jnp.dot(x_ref[...], w_ref[...], preferred_element_type=jnp.float32)
    hp = jnp.concatenate([h, jnp.zeros((N_PAD - N, D), jnp.float32)], axis=0)
    g_ref[...] = (hp.reshape(N_PAD // D, D, D) * dis[:, :, None]).reshape(N_PAD, D)


def _tc_transform(x, W, degp3):
    return pl.pallas_call(
        _tc_transform_body,
        out_shape=jax.ShapeDtypeStruct((N_PAD, D), jnp.float32),
    )(x, W, degp3)


def _tc_final_body(p_ref, degp_ref, b_ref, o_ref):
    deg = degp_ref[0] + degp_ref[1]
    dis = jnp.where(deg > 0, lax.rsqrt(deg), 0.0)
    tot = p_ref[0] + p_ref[1]
    scaled = (tot.reshape(N_PAD // D, D, D) * dis[:, :, None]).reshape(N_PAD, D)
    o_ref[...] = scaled[:N] + b_ref[...]


def _tc_final(partials, degp3, b2):
    return pl.pallas_call(
        _tc_final_body,
        out_shape=jax.ShapeDtypeStruct((N, D), jnp.float32),
    )(partials, degp3, b2)


def kernel(x, edge_index, W, b):
    ei = edge_index.astype(jnp.int32)
    n_fill = E_PAD - E
    fill = N + (jnp.arange(n_fill, dtype=jnp.int32) % (N_PAD - N))
    row3 = jnp.concatenate([ei[0], fill]).reshape(NC * NS, CHUNKS_PER_TILE, CH)
    col3 = jnp.concatenate([ei[1], fill]).reshape(NC * NS, CHUNKS_PER_TILE, CH)

    degp = _deg_call(col3)
    degp3 = degp.reshape(NC, N_PAD // D, D)
    g = _tc_transform(x, W, degp3)
    partials = _edge_call(g, row3, col3)
    return _tc_final(partials, degp3, b.reshape(1, D))

# --- scband reference (transcript-rebuilt; emitter-appended) ---
"""Pipeline reference for scband-gcn-37898791419916 (READ-ONLY COPY).

The authoritative reference and input builder live on the scoring server;
editing this copy changes nothing except your own understanding.
"""

import jax, jax.numpy as jnp
import numpy as np

N_NODES = 10000
N_EDGES = 320000
D_IN = 128
D_OUT = 128


def setup_inputs(seed: int = 0) -> dict:
    key = jax.random.key(seed)
    k1, k2, k3, k4 = jax.random.split(key, 4)
    x = jax.random.normal(k1, (N_NODES, D_IN), dtype=jnp.float32)
    edge_index = jax.random.randint(k2, (2, N_EDGES), 0, N_NODES, dtype=jnp.int64)
    # GCNConv learned parameters (glorot-ish init)
    W = jax.random.normal(k3, (D_IN, D_OUT), dtype=jnp.float32) * (1.0 / np.sqrt(D_IN))
    b = jnp.zeros((D_OUT,), dtype=jnp.float32)
    return {"x": x, "edge_index": edge_index, "W": W, "b": b}


def reference(x, edge_index, W, b):
    # Faithful GCNConv (PyG) with add_self_loops=False, edge_weight=None
    N = x.shape[0]
    row = edge_index[0]  # source
    col = edge_index[1]  # target (messages aggregated here)
    # gcn_norm: deg computed from target index with unit edge weights
    ones = jnp.ones((edge_index.shape[1],), dtype=x.dtype)
    deg = jax.ops.segment_sum(ones, col, num_segments=N)
    deg_inv_sqrt = jnp.where(deg > 0, deg ** -0.5, 0.0)
    norm = deg_inv_sqrt[row] * deg_inv_sqrt[col]
    # linear transform first (PyG GCNConv applies lin before propagate)
    h = x @ W
    # message: norm * x_j (gather from source)
    msg = h[row] * norm[:, None]
    # aggregate: scatter-add at target
    out = jax.ops.segment_sum(msg, col, num_segments=N)
    out = out + b
    return out

if __name__ == "__main__":
    import jax
    _d = setup_inputs()
    print(jax.jit(kernel)(*tuple(_d.values())))

</pallas_src>

<mosaic_0001>
#map = affine_map<(d0, d1) -> (0, 0)>
#map1 = affine_map<(d0, d1) -> (0, 0, 0)>
module attributes {stable_mosaic.version = 14 : i64} {
  func.func @_edge_call(%arg0: i32, %arg1: i32, %arg2: memref<10112x128xf32, #tpu.memory_space<hbm>>, %arg3: memref<32x79x128xi32, #tpu.memory_space<hbm>>, %arg4: memref<32x79x128xi32, #tpu.memory_space<hbm>>, %arg5: memref<2x10112x128xf32, #tpu.memory_space<hbm>>, %arg6: memref<3x128xi32, #tpu.memory_space<vmem>>, %arg7: memref<4x128xi32, #tpu.memory_space<vmem>>, %arg8: memref<3x128x128xf32, #tpu.memory_space<vmem>>, %arg9: memref<10112x128xf32, #tpu.memory_space<vmem_shared>>, %arg10: memref<!tpu.dma_semaphore, #tpu.memory_space<semaphore_mem>>, %arg11: memref<!tpu.dma_semaphore, #tpu.memory_space<semaphore_mem>>, %arg12: memref<!tpu.dma_semaphore, #tpu.memory_space<semaphore_mem>>) attributes {dimension_semantics = [#tpu.dimension_semantics<core_parallel>, #tpu.dimension_semantics<subcore_parallel>], iteration_bounds = array<i64: 2, 16>, scalar_prefetch = 0 : i64, scratch_operands = 7 : i64, tpu.core_type = #tpu.core_type<sc_vector_subcore>, window_params = [{transform_indices = #map}, {transform_indices = #map1}, {transform_indices = #map1}, {transform_indices = #map1}]} {
    %mul3A = arith.constant 16 : i32
    %mul3A_0 = arith.muli %arg0, %mul3A : i32
    %add3A = arith.addi %mul3A_0, %arg1 : i32
    %lt3A = arith.constant 15 : i32
    %lt3A_1 = arith.cmpi slt, %arg1, %lt3A : i32
    %jit3A = arith.constant 5 : i32
    %jit3A_2 = arith.constant 4 : i32
    %select_n3A = arith.select %lt3A_1, %jit3A, %jit3A_2 : i32
    %run_scoped3A = arith.constant 0 : i32
    %run_scoped3A_3 = arith.constant 0 : i32
    "tpu.region"() ({
      %run_scoped3A_129 = tpu.sem_alloc : memref<!tpu.dma_semaphore, #tpu.memory_space<semaphore_mem>>
      %dma_start3A_130 = arith.constant 0 : i32
      %dma_start3A_131 = tpu.memref_slice %arg6[%run_scoped3A_3, %dma_start3A_130] : memref<3x128xi32, #tpu.memory_space<vmem>> -> memref<1x128xi32, #tpu.memory_space<vmem>>
      %dma_start3A_132 = tpu.memref_squeeze %dma_start3A_131 : memref<1x128xi32, #tpu.memory_space<vmem>> -> memref<128xi32, #tpu.memory_space<vmem>>
      %dma_start3A_133 = arith.constant 0 : i32
      %dma_start3A_134 = tpu.memref_slice %arg3[%add3A, %run_scoped3A, %dma_start3A_133] : memref<32x79x128xi32, #tpu.memory_space<hbm>> -> memref<1x1x128xi32, #tpu.memory_space<hbm>>
      %dma_start3A_135 = tpu.memref_squeeze %dma_start3A_134 : memref<1x1x128xi32, #tpu.memory_space<hbm>> -> memref<128xi32, #tpu.memory_space<hbm>>
      %dma_start3A_136 = arith.constant 0 : i32
      %dma_start3A_137 = tpu.memref_slice %arg6[%run_scoped3A_3, %dma_start3A_136] : memref<3x128xi32, #tpu.memory_space<vmem>> -> memref<1x128xi32, #tpu.memory_space<vmem>>
      %dma_start3A_138 = tpu.memref_squeeze %dma_start3A_137 : memref<1x128xi32, #tpu.memory_space<vmem>> -> memref<128xi32, #tpu.memory_space<vmem>>
      %dma_start3A_139 = arith.constant 0 : i32
      %dma_start3A_140 = tpu.memref_slice %arg3[%add3A, %run_scoped3A, %dma_start3A_139] : memref<32x79x128xi32, #tpu.memory_space<hbm>> -> memref<1x1x128xi32, #tpu.memory_space<hbm>>
      %dma_start3A_141 = tpu.memref_squeeze %dma_start3A_140 : memref<1x1x128xi32, #tpu.memory_space<hbm>> -> memref<128xi32, #tpu.memory_space<hbm>>
      tpu.enqueue_dma source(%dma_start3A_141 : memref<128xi32, #tpu.memory_space<hbm>>) target(%dma_start3A_138 : memref<128xi32, #tpu.memory_space<vmem>>) target_semaphore(%run_scoped3A_129 : memref<!tpu.dma_semaphore, #tpu.memory_space<semaphore_mem>>)
      %dma_wait3A_142 = arith.constant 0 : i32
      %dma_wait3A_143 = tpu.memref_slice %arg6[%run_scoped3A_3, %dma_wait3A_142] : memref<3x128xi32, #tpu.memory_space<vmem>> -> memref<1x128xi32, #tpu.memory_space<vmem>>
      %dma_wait3A_144 = tpu.memref_squeeze %dma_wait3A_143 : memref<1x128xi32, #tpu.memory_space<vmem>> -> memref<128xi32, #tpu.memory_space<vmem>>
      %dma_wait3A_145 = arith.constant 0 : i32
      %dma_wait3A_146 = tpu.memref_slice %arg3[%add3A, %run_scoped3A, %dma_wait3A_145] : memref<32x79x128xi32, #tpu.memory_space<hbm>> -> memref<1x1x128xi32, #tpu.memory_space<hbm>>
      %dma_wait3A_147 = tpu.memref_squeeze %dma_wait3A_146 : memref<1x1x128xi32, #tpu.memory_space<hbm>> -> memref<128xi32, #tpu.memory_space<hbm>>
      %dma_wait3A_148 = arith.constant 0 : i32
      %dma_wait3A_149 = tpu.memref_slice %arg6[%run_scoped3A_3, %dma_wait3A_148] : memref<3x128xi32, #tpu.memory_space<vmem>> -> memref<1x128xi32, #tpu.memory_space<vmem>>
      %dma_wait3A_150 = tpu.memref_squeeze %dma_wait3A_149 : memref<1x128xi32, #tpu.memory_space<vmem>> -> memref<128xi32, #tpu.memory_space<vmem>>
      %dma_wait3A_151 = arith.constant 0 : i32
      %dma_wait3A_152 = tpu.memref_slice %arg3[%add3A, %run_scoped3A, %dma_wait3A_151] : memref<32x79x128xi32, #tpu.memory_space<hbm>> -> memref<1x1x128xi32, #tpu.memory_space<hbm>>
      %dma_wait3A_153 = tpu.memref_squeeze %dma_wait3A_152 : memref<1x1x128xi32, #tpu.memory_space<hbm>> -> memref<128xi32, #tpu.memory_space<hbm>>
      tpu.wait_dma2 semaphore(%run_scoped3A_129 : memref<!tpu.dma_semaphore, #tpu.memory_space<semaphore_mem>>) src(%dma_wait3A_153 : memref<128xi32, #tpu.memory_space<hbm>>) dst(%dma_wait3A_150 : memref<128xi32, #tpu.memory_space<vmem>>)
      tpu.yield
    }) : () -> ()
    %run_scoped3A_4 = arith.constant 0 : i32
    %run_scoped3A_5 = arith.constant 0 : i32
    "tpu.region"() ({
      %run_scoped3A_129 = tpu.sem_alloc : memref<!tpu.dma_semaphore, #tpu.memory_space<semaphore_mem>>
      %dma_start3A_130 = arith.constant 0 : i32
      %dma_start3A_131 = tpu.memref_slice %arg7[%run_scoped3A_5, %dma_start3A_130] : memref<4x128xi32, #tpu.memory_space<vmem>> -> memref<1x128xi32, #tpu.memory_space<vmem>>
      %dma_start3A_132 = tpu.memref_squeeze %dma_start3A_131 : memref<1x128xi32, #tpu.memory_space<vmem>> -> memref<128xi32, #tpu.memory_space<vmem>>
      %dma_start3A_133 = arith.constant 0 : i32
      %dma_start3A_134 = tpu.memref_slice %arg4[%add3A, %run_scoped3A_4, %dma_start3A_133] : memref<32x79x128xi32, #tpu.memory_space<hbm>> -> memref<1x1x128xi32, #tpu.memory_space<hbm>>
      %dma_start3A_135 = tpu.memref_squeeze %dma_start3A_134 : memref<1x1x128xi32, #tpu.memory_space<hbm>> -> memref<128xi32, #tpu.memory_space<hbm>>
      %dma_start3A_136 = arith.constant 0 : i32
      %dma_start3A_137 = tpu.memref_slice %arg7[%run_scoped3A_5, %dma_start3A_136] : memref<4x128xi32, #tpu.memory_space<vmem>> -> memref<1x128xi32, #tpu.memory_space<vmem>>
      %dma_start3A_138 = tpu.memref_squeeze %dma_start3A_137 : memref<1x128xi32, #tpu.memory_space<vmem>> -> memref<128xi32, #tpu.memory_space<vmem>>
      %dma_start3A_139 = arith.constant 0 : i32
      %dma_start3A_140 = tpu.memref_slice %arg4[%add3A, %run_scoped3A_4, %dma_start3A_139] : memref<32x79x128xi32, #tpu.memory_space<hbm>> -> memref<1x1x128xi32, #tpu.memory_space<hbm>>
      %dma_start3A_141 = tpu.memref_squeeze %dma_start3A_140 : memref<1x1x128xi32, #tpu.memory_space<hbm>> -> memref<128xi32, #tpu.memory_space<hbm>>
      tpu.enqueue_dma source(%dma_start3A_141 : memref<128xi32, #tpu.memory_space<hbm>>) target(%dma_start3A_138 : memref<128xi32, #tpu.memory_space<vmem>>) target_semaphore(%run_scoped3A_129 : memref<!tpu.dma_semaphore, #tpu.memory_space<semaphore_mem>>)
      %dma_wait3A_142 = arith.constant 0 : i32
      %dma_wait3A_143 = tpu.memref_slice %arg7[%run_scoped3A_5, %dma_wait3A_142] : memref<4x128xi32, #tpu.memory_space<vmem>> -> memref<1x128xi32, #tpu.memory_space<vmem>>
      %dma_wait3A_144 = tpu.memref_squeeze %dma_wait3A_143 : memref<1x128xi32, #tpu.memory_space<vmem>> -> memref<128xi32, #tpu.memory_space<vmem>>
      %dma_wait3A_145 = arith.constant 0 : i32
      %dma_wait3A_146 = tpu.memref_slice %arg4[%add3A, %run_scoped3A_4, %dma_wait3A_145] : memref<32x79x128xi32, #tpu.memory_space<hbm>> -> memref<1x1x128xi32, #tpu.memory_space<hbm>>
      %dma_wait3A_147 = tpu.memref_squeeze %dma_wait3A_146 : memref<1x1x128xi32, #tpu.memory_space<hbm>> -> memref<128xi32, #tpu.memory_space<hbm>>
      %dma_wait3A_148 = arith.constant 0 : i32
      %dma_wait3A_149 = tpu.memref_slice %arg7[%run_scoped3A_5, %dma_wait3A_148] : memref<4x128xi32, #tpu.memory_space<vmem>> -> memref<1x128xi32, #tpu.memory_space<vmem>>
      %dma_wait3A_150 = tpu.memref_squeeze %dma_wait3A_149 : memref<1x128xi32, #tpu.memory_space<vmem>> -> memref<128xi32, #tpu.memory_space<vmem>>
      %dma_wait3A_151 = arith.constant 0 : i32
      %dma_wait3A_152 = tpu.memref_slice %arg4[%add3A, %run_scoped3A_4, %dma_wait3A_151] : memref<32x79x128xi32, #tpu.memory_space<hbm>> -> memref<1x1x128xi32, #tpu.memory_space<hbm>>
      %dma_wait3A_153 = tpu.memref_squeeze %dma_wait3A_152 : memref<1x1x128xi32, #tpu.memory_space<hbm>> -> memref<128xi32, #tpu.memory_space<hbm>>
      tpu.wait_dma2 semaphore(%run_scoped3A_129 : memref<!tpu.dma_semaphore, #tpu.memory_space<semaphore_mem>>) src(%dma_wait3A_153 : memref<128xi32, #tpu.memory_space<hbm>>) dst(%dma_wait3A_150 : memref<128xi32, #tpu.memory_space<vmem>>)
      tpu.yield
    }) : () -> ()
    %dma_start3A = arith.constant 1 : i32
    %dma_start3A_6 = arith.constant 1 : i32
    %dma_start3A_7 = arith.constant 0 : i32
    %dma_start3A_8 = tpu.memref_slice %arg6[%dma_start3A_6, %dma_start3A_7] : memref<3x128xi32, #tpu.memory_space<vmem>> -> memref<1x128xi32, #tpu.memory_space<vmem>>
    %dma_start3A_9 = tpu.memref_squeeze %dma_start3A_8 : memref<1x128xi32, #tpu.memory_space<vmem>> -> memref<128xi32, #tpu.memory_space<vmem>>
    %dma_start3A_10 = arith.constant 0 : i32
    %dma_start3A_11 = tpu.memref_slice %arg3[%add3A, %dma_start3A, %dma_start3A_10] : memref<32x79x128xi32, #tpu.memory_space<hbm>> -> memref<1x1x128xi32, #tpu.memory_space<hbm>>
    %dma_start3A_12 = tpu.memref_squeeze %dma_start3A_11 : memref<1x1x128xi32, #tpu.memory_space<hbm>> -> memref<128xi32, #tpu.memory_space<hbm>>
    %dma_start3A_13 = arith.constant 0 : i32
    %dma_start3A_14 = tpu.memref_slice %arg6[%dma_start3A_6, %dma_start3A_13] : memref<3x128xi32, #tpu.memory_space<vmem>> -> memref<1x128xi32, #tpu.memory_space<vmem>>
    %dma_start3A_15 = tpu.memref_squeeze %dma_start3A_14 : memref<1x128xi32, #tpu.memory_space<vmem>> -> memref<128xi32, #tpu.memory_space<vmem>>
    %dma_start3A_16 = arith.constant 0 : i32
    %dma_start3A_17 = tpu.memref_slice %arg3[%add3A, %dma_start3A, %dma_start3A_16] : memref<32x79x128xi32, #tpu.memory_space<hbm>> -> memref<1x1x128xi32, #tpu.memory_space<hbm>>
    %dma_start3A_18 = tpu.memref_squeeze %dma_start3A_17 : memref<1x1x128xi32, #tpu.memory_space<hbm>> -> memref<128xi32, #tpu.memory_space<hbm>>
    tpu.enqueue_dma source(%dma_start3A_18 : memref<128xi32, #tpu.memory_space<hbm>>) target(%dma_start3A_15 : memref<128xi32, #tpu.memory_space<vmem>>) target_semaphore(%arg12 : memref<!tpu.dma_semaphore, #tpu.memory_space<semaphore_mem>>)
    %dma_start3A_19 = arith.constant 1 : i32
    %dma_start3A_20 = arith.constant 1 : i32
    %dma_start3A_21 = arith.constant 0 : i32
    %dma_start3A_22 = tpu.memref_slice %arg7[%dma_start3A_20, %dma_start3A_21] : memref<4x128xi32, #tpu.memory_space<vmem>> -> memref<1x128xi32, #tpu.memory_space<vmem>>
    %dma_start3A_23 = tpu.memref_squeeze %dma_start3A_22 : memref<1x128xi32, #tpu.memory_space<vmem>> -> memref<128xi32, #tpu.memory_space<vmem>>
    %dma_start3A_24 = arith.constant 0 : i32
    %dma_start3A_25 = tpu.memref_slice %arg4[%add3A, %dma_start3A_19, %dma_start3A_24] : memref<32x79x128xi32, #tpu.memory_space<hbm>> -> memref<1x1x128xi32, #tpu.memory_space<hbm>>
    %dma_start3A_26 = tpu.memref_squeeze %dma_start3A_25 : memref<1x1x128xi32, #tpu.memory_space<hbm>> -> memref<128xi32, #tpu.memory_space<hbm>>
    %dma_start3A_27 = arith.constant 0 : i32
    %dma_start3A_28 = tpu.memref_slice %arg7[%dma_start3A_20, %dma_start3A_27] : memref<4x128xi32, #tpu.memory_space<vmem>> -> memref<1x128xi32, #tpu.memory_space<vmem>>
    %dma_start3A_29 = tpu.memref_squeeze %dma_start3A_28 : memref<1x128xi32, #tpu.memory_space<vmem>> -> memref<128xi32, #tpu.memory_space<vmem>>
    %dma_start3A_30 = arith.constant 0 : i32
    %dma_start3A_31 = tpu.memref_slice %arg4[%add3A, %dma_start3A_19, %dma_start3A_30] : memref<32x79x128xi32, #tpu.memory_space<hbm>> -> memref<1x1x128xi32, #tpu.memory_space<hbm>>
    %dma_start3A_32 = tpu.memref_squeeze %dma_start3A_31 : memref<1x1x128xi32, #tpu.memory_space<hbm>> -> memref<128xi32, #tpu.memory_space<hbm>>
    tpu.enqueue_dma source(%dma_start3A_32 : memref<128xi32, #tpu.memory_space<hbm>>) target(%dma_start3A_29 : memref<128xi32, #tpu.memory_space<vmem>>) target_semaphore(%arg12 : memref<!tpu.dma_semaphore, #tpu.memory_space<semaphore_mem>>)
    %scan3A = arith.constant 0 : i32
    %scan3A_33 = arith.constant 0 : i32
    %scan3A_34 = arith.constant 1024 : i32
    %scan3A_35 = arith.addi %scan3A_33, %scan3A_34 : i32
    %scan3A_36 = arith.constant 1 : i32
    %scan3A_37 = scf.for %scan3A_129 = %scan3A_33 to %scan3A_35 step %scan3A_36 iter_args(%scan3A_130 = %scan3A) -> (i32)  : i32 {
      %broadcast_in_dim3A = arith.constant 0.000000e+00 : f32
      %broadcast_in_dim3A_131 = vector.broadcast %broadcast_in_dim3A : f32 to vector<16xf32>
      %jit3A_132 = arith.constant 8 : i32
      %div3A = arith.divsi %scan3A_129, %jit3A_132 : i32
      %sign3A = arith.constant 0 : i32
      %sign3A_133 = arith.cmpi sgt, %scan3A_129, %sign3A : i32
      %sign3A_134 = arith.extui %sign3A_133 : i1 to i32
      %sign3A_135 = arith.constant 0 : i32
      %sign3A_136 = arith.cmpi slt, %scan3A_129, %sign3A_135 : i32
      %sign3A_137 = arith.extui %sign3A_136 : i1 to i32
      %sign3A_138 = arith.subi %sign3A_134, %sign3A_137 : i32
      %sign3A_139 = arith.constant 0 : i32
      %sign3A_140 = arith.cmpi sgt, %jit3A_132, %sign3A_139 : i32
      %sign3A_141 = arith.extui %sign3A_140 : i1 to i32
      %sign3A_142 = arith.constant 0 : i32
      %sign3A_143 = arith.cmpi slt, %jit3A_132, %sign3A_142 : i32
      %sign3A_144 = arith.extui %sign3A_143 : i1 to i32
      %sign3A_145 = arith.subi %sign3A_141, %sign3A_144 : i32
      %ne3A = arith.cmpi ne, %sign3A_138, %sign3A_145 : i32
      %rem3A = arith.remsi %scan3A_129, %jit3A_132 : i32
      %ne3A_146 = arith.constant 0 : i32
      %ne3A_147 = arith.cmpi ne, %rem3A, %ne3A_146 : i32
      %and3A = arith.andi %ne3A, %ne3A_147 : i1
      %sub3A = arith.constant 1 : i32
      %sub3A_148 = arith.subi %div3A, %sub3A : i32
      %select_n3A_149 = arith.select %and3A, %sub3A_148, %div3A : i32
      %jit3A_150 = arith.constant 8 : i32
      %eq3A = arith.constant 0 : i32
      %eq3A_151 = arith.cmpi eq, %jit3A_150, %eq3A : i32
      %jit3A_152 = arith.constant 1 : i32
      %select_n3A_153 = arith.select %eq3A_151, %jit3A_152, %jit3A_150 : i32
      %rem3A_154 = arith.remsi %scan3A_129, %select_n3A_153 : i32
      %ne3A_155 = arith.constant 0 : i32
      %ne3A_156 = arith.cmpi ne, %rem3A_154, %ne3A_155 : i32
      %lt3A_157 = arith.constant 0 : i32
      %lt3A_158 = arith.cmpi slt, %rem3A_154, %lt3A_157 : i32
      %lt3A_159 = arith.constant 0 : i32
      %lt3A_160 = arith.cmpi slt, %select_n3A_153, %lt3A_159 : i32
      %ne3A_161 = arith.xori %lt3A_158, %lt3A_160 : i1
      %and3A_162 = arith.andi %ne3A_161, %ne3A_156 : i1
      %add3A_163 = arith.addi %rem3A_154, %select_n3A_153 : i32
      %select_n3A_164 = arith.select %and3A_162, %add3A_163, %rem3A_154 : i32
      %mul3A_165 = arith.constant 16 : i32
      %mul3A_166 = arith.muli %select_n3A_164, %mul3A_165 : i32
      %swap3A = arith.constant 0 : i32
      %swap3A_167 = arith.index_cast %swap3A : i32 to index
      %swap3A_168 = arith.index_cast %select_n3A_149 : i32 to index
      %swap3A_169 = arith.index_cast %mul3A_166 : i32 to index
      %swap3A_170 = tpu.vector_load %arg8[%swap3A_167, %swap3A_168, %swap3A_169] {strides = array<i32>} : memref<3x128x128xf32, #tpu.memory_space<vmem>>, vector<1x1x16xf32>,
      %swap3A_171 = vector.shape_cast %swap3A_170 : vector<1x1x16xf32> to vector<16xf32>
      %swap3A_172 = vector.shape_cast %broadcast_in_dim3A_131 : vector<16xf32> to vector<1x1x16xf32>
      tpu.vector_store %arg8[%swap3A_167, %swap3A_168, %swap3A_169], %swap3A_172 {strides = array<i32>} : memref<3x128x128xf32, #tpu.memory_space<vmem>>, vector<1x1x16xf32>,
      %scan3A_173 = arith.constant 0 : i32
      scf.yield %scan3A_173 : i32
    }
    %scan3A_38 = arith.constant 1024 : i32
    %while3A = arith.constant 0 : i32
    %while3A_39 = arith.constant 0 : i32
    %while3A_40 = arith.subi %select_n3A, %while3A : i32
    %while3A_41 = arith.addi %while3A, %while3A_40 : i32
    %while3A_42 = arith.constant 1 : i32
    %while3A_43 = arith.divsi %while3A_40, %while3A_42 : i32
    %while3A_44 = arith.muli %while3A_43, %while3A_42 : i32
    %while3A_45 = arith.addi %while3A, %while3A_44 : i32
    %while3A_46 = arith.constant 1 : i32
    %while3A_47 = scf.for %while3A_129 = %while3A to %while3A_45 step %while3A_46 iter_args(%while3A_130 = %while3A_39) -> (i32)  : i32 {
      %mul3A_131 = arith.constant 640 : i32
      %mul3A_132 = arith.muli %arg1, %mul3A_131 : i32
      %mul3A_133 = arith.constant 128 : i32
      %mul3A_134 = arith.muli %while3A_129, %mul3A_133 : i32
      %add3A_135 = arith.addi %mul3A_132, %mul3A_134 : i32
      %dma_start3A_136 = arith.constant 0 : i32
      %dma_start3A_137 = arith.constant 0 : i32
      %dma_start3A_138 = arith.constant 0 : i32
      %dma_start3A_139 = tpu.memref_slice %arg8[%dma_start3A_136, %dma_start3A_137, %dma_start3A_138] : memref<3x128x128xf32, #tpu.memory_space<vmem>> -> memref<1x128x128xf32, #tpu.memory_space<vmem>>
      %dma_start3A_140 = tpu.memref_squeeze %dma_start3A_139 : memref<1x128x128xf32, #tpu.memory_space<vmem>> -> memref<128x128xf32, #tpu.memory_space<vmem>>
      %dma_start3A_141 = arith.constant 0 : i32
      %dma_start3A_142 = tpu.memref_slice %arg9[%add3A_135, %dma_start3A_141] : memref<10112x128xf32, #tpu.memory_space<vmem_shared>> -> memref<128x128xf32, #tpu.memory_space<vmem_shared>>
      %dma_start3A_143 = arith.constant 0 : i32
      %dma_start3A_144 = tpu.memref_slice %arg9[%add3A_135, %dma_start3A_143] : memref<10112x128xf32, #tpu.memory_space<vmem_shared>> -> memref<128x128xf32, #tpu.memory_space<vmem_shared>>
      %dma_start3A_145 = arith.constant 0 : i32
      %dma_start3A_146 = arith.constant 0 : i32
      %dma_start3A_147 = tpu.memref_slice %arg8[%dma_start3A_136, %dma_start3A_145, %dma_start3A_146] : memref<3x128x128xf32, #tpu.memory_space<vmem>> -> memref<1x128x128xf32, #tpu.memory_space<vmem>>
      %dma_start3A_148 = tpu.memref_squeeze %dma_start3A_147 : memref<1x128x128xf32, #tpu.memory_space<vmem>> -> memref<128x128xf32, #tpu.memory_space<vmem>>
      tpu.enqueue_dma source(%dma_start3A_148 : memref<128x128xf32, #tpu.memory_space<vmem>>) target(%dma_start3A_144 : memref<128x128xf32, #tpu.memory_space<vmem_shared>>) target_semaphore(%arg10 : memref<!tpu.dma_semaphore, #tpu.memory_space<semaphore_mem>>)
      %while3A_149 = arith.constant 0 : i32
      scf.yield %while3A_149 : i32
    }
    %while3A_48 = arith.constant 1 : i32
    %while3A_49 = scf.for %while3A_129 = %while3A_45 to %while3A_41 step %while3A_48 iter_args(%while3A_130 = %while3A_47) -> (i32)  : i32 {
      %mul3A_131 = arith.constant 640 : i32
      %mul3A_132 = arith.muli %arg1, %mul3A_131 : i32
      %mul3A_133 = arith.constant 128 : i32
      %mul3A_134 = arith.muli %while3A_129, %mul3A_133 : i32
      %add3A_135 = arith.addi %mul3A_132, %mul3A_134 : i32
      %dma_start3A_136 = arith.constant 0 : i32
      %dma_start3A_137 = arith.constant 0 : i32
      %dma_start3A_138 = arith.constant 0 : i32
      %dma_start3A_139 = tpu.memref_slice %arg8[%dma_start3A_136, %dma_start3A_137, %dma_start3A_138] : memref<3x128x128xf32, #tpu.memory_space<vmem>> -> memref<1x128x128xf32, #tpu.memory_space<vmem>>
      %dma_start3A_140 = tpu.memref_squeeze %dma_start3A_139 : memref<1x128x128xf32, #tpu.memory_space<vmem>> -> memref<128x128xf32, #tpu.memory_space<vmem>>
      %dma_start3A_141 = arith.constant 0 : i32
      %dma_start3A_142 = tpu.memref_slice %arg9[%add3A_135, %dma_start3A_141] : memref<10112x128xf32, #tpu.memory_space<vmem_shared>> -> memref<128x128xf32, #tpu.memory_space<vmem_shared>>
      %dma_start3A_143 = arith.constant 0 : i32
      %dma_start3A_144 = tpu.memref_slice %arg9[%add3A_135, %dma_start3A_143] : memref<10112x128xf32, #tpu.memory_space<vmem_shared>> -> memref<128x128xf32, #tpu.memory_space<vmem_shared>>
      %dma_start3A_145 = arith.constant 0 : i32
      %dma_start3A_146 = arith.constant 0 : i32
      %dma_start3A_147 = tpu.memref_slice %arg8[%dma_start3A_136, %dma_start3A_145, %dma_start3A_146] : memref<3x128x128xf32, #tpu.memory_space<vmem>> -> memref<1x128x128xf32, #tpu.memory_space<vmem>>
      %dma_start3A_148 = tpu.memref_squeeze %dma_start3A_147 : memref<1x128x128xf32, #tpu.memory_space<vmem>> -> memref<128x128xf32, #tpu.memory_space<vmem>>
      tpu.enqueue_dma source(%dma_start3A_148 : memref<128x128xf32, #tpu.memory_space<vmem>>) target(%dma_start3A_144 : memref<128x128xf32, #tpu.memory_space<vmem_shared>>) target_semaphore(%arg10 : memref<!tpu.dma_semaphore, #tpu.memory_space<semaphore_mem>>)
      %while3A_149 = arith.constant 0 : i32
      scf.yield %while3A_149 : i32
    }
    %while3A_50 = arith.constant 0 : i32
    %while3A_51 = arith.constant 0 : i32
    %while3A_52 = arith.subi %select_n3A, %while3A_50 : i32
    %while3A_53 = arith.addi %while3A_50, %while3A_52 : i32
    %while3A_54 = arith.constant 1 : i32
    %while3A_55 = arith.divsi %while3A_52, %while3A_54 : i32
    %while3A_56 = arith.muli %while3A_55, %while3A_54 : i32
    %while3A_57 = arith.addi %while3A_50, %while3A_56 : i32
    %while3A_58 = arith.constant 1 : i32
    %while3A_59 = scf.for %while3A_129 = %while3A_50 to %while3A_57 step %while3A_58 iter_args(%while3A_130 = %while3A_51) -> (i32)  : i32 {
      %dma_wait3A_131 = arith.constant 0 : i32
      %dma_wait3A_132 = arith.constant 0 : i32
      %dma_wait3A_133 = arith.constant 0 : i32
      %dma_wait3A_134 = tpu.memref_slice %arg8[%dma_wait3A_131, %dma_wait3A_132, %dma_wait3A_133] : memref<3x128x128xf32, #tpu.memory_space<vmem>> -> memref<1x128x128xf32, #tpu.memory_space<vmem>>
      %dma_wait3A_135 = tpu.memref_squeeze %dma_wait3A_134 : memref<1x128x128xf32, #tpu.memory_space<vmem>> -> memref<128x128xf32, #tpu.memory_space<vmem>>
      %dma_wait3A_136 = arith.constant 0 : i32
      %dma_wait3A_137 = arith.constant 0 : i32
      %dma_wait3A_138 = tpu.memref_slice %arg9[%dma_wait3A_136, %dma_wait3A_137] : memref<10112x128xf32, #tpu.memory_space<vmem_shared>> -> memref<128x128xf32, #tpu.memory_space<vmem_shared>>
      %dma_wait3A_139 = arith.constant 0 : i32
      %dma_wait3A_140 = arith.constant 0 : i32
      %dma_wait3A_141 = tpu.memref_slice %arg9[%dma_wait3A_139, %dma_wait3A_140] : memref<10112x128xf32, #tpu.memory_space<vmem_shared>> -> memref<128x128xf32, #tpu.memory_space<vmem_shared>>
      %dma_wait3A_142 = arith.constant 0 : i32
      %dma_wait3A_143 = arith.constant 0 : i32
      %dma_wait3A_144 = tpu.memref_slice %arg8[%dma_wait3A_131, %dma_wait3A_142, %dma_wait3A_143] : memref<3x128x128xf32, #tpu.memory_space<vmem>> -> memref<1x128x128xf32, #tpu.memory_space<vmem>>
      %dma_wait3A_145 = tpu.memref_squeeze %dma_wait3A_144 : memref<1x128x128xf32, #tpu.memory_space<vmem>> -> memref<128x128xf32, #tpu.memory_space<vmem>>
      tpu.wait_dma2 semaphore(%arg10 : memref<!tpu.dma_semaphore, #tpu.memory_space<semaphore_mem>>) src(%dma_wait3A_145 : memref<128x128xf32, #tpu.memory_space<vmem>>) dst(%dma_wait3A_141 : memref<128x128xf32, #tpu.memory_space<vmem_shared>>)
      %while3A_146 = arith.constant 0 : i32
      scf.yield %while3A_146 : i32
    }
    %while3A_60 = arith.constant 1 : i32
    %while3A_61 = scf.for %while3A_129 = %while3A_57 to %while3A_53 step %while3A_60 iter_args(%while3A_130 = %while3A_59) -> (i32)  : i32 {
      %dma_wait3A_131 = arith.constant 0 : i32
      %dma_wait3A_132 = arith.constant 0 : i32
      %dma_wait3A_133 = arith.constant 0 : i32
      %dma_wait3A_134 = tpu.memref_slice %arg8[%dma_wait3A_131, %dma_wait3A_132, %dma_wait3A_133] : memref<3x128x128xf32, #tpu.memory_space<vmem>> -> memref<1x128x128xf32, #tpu.memory_space<vmem>>
      %dma_wait3A_135 = tpu.memref_squeeze %dma_wait3A_134 : memref<1x128x128xf32, #tpu.memory_space<vmem>> -> memref<128x128xf32, #tpu.memory_space<vmem>>
      %dma_wait3A_136 = arith.constant 0 : i32
      %dma_wait3A_137 = arith.constant 0 : i32
      %dma_wait3A_138 = tpu.memref_slice %arg9[%dma_wait3A_136, %dma_wait3A_137] : memref<10112x128xf32, #tpu.memory_space<vmem_shared>> -> memref<128x128xf32, #tpu.memory_space<vmem_shared>>
      %dma_wait3A_139 = arith.constant 0 : i32
      %dma_wait3A_140 = arith.constant 0 : i32
      %dma_wait3A_141 = tpu.memref_slice %arg9[%dma_wait3A_139, %dma_wait3A_140] : memref<10112x128xf32, #tpu.memory_space<vmem_shared>> -> memref<128x128xf32, #tpu.memory_space<vmem_shared>>
      %dma_wait3A_142 = arith.constant 0 : i32
      %dma_wait3A_143 = arith.constant 0 : i32
      %dma_wait3A_144 = tpu.memref_slice %arg8[%dma_wait3A_131, %dma_wait3A_142, %dma_wait3A_143] : memref<3x128x128xf32, #tpu.memory_space<vmem>> -> memref<1x128x128xf32, #tpu.memory_space<vmem>>
      %dma_wait3A_145 = tpu.memref_squeeze %dma_wait3A_144 : memref<1x128x128xf32, #tpu.memory_space<vmem>> -> memref<128x128xf32, #tpu.memory_space<vmem>>
      tpu.wait_dma2 semaphore(%arg10 : memref<!tpu.dma_semaphore, #tpu.memory_space<semaphore_mem>>) src(%dma_wait3A_145 : memref<128x128xf32, #tpu.memory_space<vmem>>) dst(%dma_wait3A_141 : memref<128x128xf32, #tpu.memory_space<vmem_shared>>)
      %while3A_146 = arith.constant 0 : i32
      scf.yield %while3A_146 : i32
    }
    %barrier3A = arith.constant 0 : index
    tpu.barrier barrier_id(%barrier3A)
    %dma_start3A_62 = arith.constant 0 : i32
    %dma_start3A_63 = arith.constant 0 : i32
    %dma_start3A_64 = arith.constant 0 : i32
    %dma_start3A_65 = arith.constant 0 : i32
    %dma_start3A_66 = tpu.memref_slice %arg8[%dma_start3A_63, %dma_start3A_64, %dma_start3A_65] : memref<3x128x128xf32, #tpu.memory_space<vmem>> -> memref<1x128x128xf32, #tpu.memory_space<vmem>>
    %dma_start3A_67 = tpu.memref_squeeze %dma_start3A_66 : memref<1x128x128xf32, #tpu.memory_space<vmem>> -> memref<128x128xf32, #tpu.memory_space<vmem>>
    %dma_start3A_68 = arith.constant 0 : i32
    %dma_start3A_69 = tpu.memref_slice %arg6[%dma_start3A_62, %dma_start3A_68] : memref<3x128xi32, #tpu.memory_space<vmem>> -> memref<1x128xi32, #tpu.memory_space<vmem>>
    %dma_start3A_70 = tpu.memref_squeeze %dma_start3A_69 : memref<1x128xi32, #tpu.memory_space<vmem>> -> memref<128xi32, #tpu.memory_space<vmem>>
    %dma_start3A_71 = arith.constant 0 : i32
    %dma_start3A_72 = arith.constant 0 : i32
    %dma_start3A_73 = tpu.memref_slice %arg2[%dma_start3A_71, %dma_start3A_72] : memref<10112x128xf32, #tpu.memory_space<hbm>> -> memref<10112x128xf32, #tpu.memory_space<hbm>>
    tpu.enqueue_indirect_dma source(%dma_start3A_73 : memref<10112x128xf32, #tpu.memory_space<hbm>>) target(%dma_start3A_67 : memref<128x128xf32, #tpu.memory_space<vmem>>) offsets(%dma_start3A_70 : memref<128xi32, #tpu.memory_space<vmem>>) semaphore(%arg10 : memref<!tpu.dma_semaphore, #tpu.memory_space<semaphore_mem>>)
    %scan3A_74 = arith.constant 0 : i32
    %scan3A_75 = arith.constant 0 : i32
    %scan3A_76 = arith.constant 79 : i32
    %scan3A_77 = arith.addi %scan3A_75, %scan3A_76 : i32
    %scan3A_78 = arith.constant 1 : i32
    %scan3A_79 = scf.for %scan3A_129 = %scan3A_75 to %scan3A_77 step %scan3A_78 iter_args(%scan3A_130 = %scan3A_74) -> (i32)  : i32 {
      %rem3A = arith.constant 3 : i32
      %rem3A_131 = arith.remsi %scan3A_129, %rem3A : i32
      %add3A_132 = arith.constant 1 : i32
      %add3A_133 = arith.addi %scan3A_129, %add3A_132 : i32
      %rem3A_134 = arith.constant 3 : i32
      %rem3A_135 = arith.remsi %add3A_133, %rem3A_134 : i32
      %rem3A_136 = arith.constant 3 : i32
      %rem3A_137 = arith.remsi %scan3A_129, %rem3A_136 : i32
      %add3A_138 = arith.constant 1 : i32
      %add3A_139 = arith.addi %scan3A_129, %add3A_138 : i32
      %rem3A_140 = arith.constant 3 : i32
      %rem3A_141 = arith.remsi %add3A_139, %rem3A_140 : i32
      %add3A_142 = arith.constant 2 : i32
      %add3A_143 = arith.addi %scan3A_129, %add3A_142 : i32
      %rem3A_144 = arith.constant 3 : i32
      %rem3A_145 = arith.remsi %add3A_143, %rem3A_144 : i32
      %rem3A_146 = arith.constant 4 : i32
      %rem3A_147 = arith.remsi %scan3A_129, %rem3A_146 : i32
      %add3A_148 = arith.constant 1 : i32
      %add3A_149 = arith.addi %scan3A_129, %add3A_148 : i32
      %rem3A_150 = arith.constant 4 : i32
      %rem3A_151 = arith.remsi %add3A_149, %rem3A_150 : i32
      %add3A_152 = arith.constant 2 : i32
      %add3A_153 = arith.addi %scan3A_129, %add3A_152 : i32
      %rem3A_154 = arith.constant 4 : i32
      %rem3A_155 = arith.remsi %add3A_153, %rem3A_154 : i32
      %dma_wait3A_156 = arith.constant 0 : i32
      %dma_wait3A_157 = arith.constant 0 : i32
      %dma_wait3A_158 = tpu.memref_slice %arg8[%rem3A_131, %dma_wait3A_156, %dma_wait3A_157] : memref<3x128x128xf32, #tpu.memory_space<vmem>> -> memref<1x128x128xf32, #tpu.memory_space<vmem>>
      %dma_wait3A_159 = tpu.memref_squeeze %dma_wait3A_158 : memref<1x128x128xf32, #tpu.memory_space<vmem>> -> memref<128x128xf32, #tpu.memory_space<vmem>>
      %dma_wait3A_160 = arith.constant 0 : i32
      %dma_wait3A_161 = tpu.memref_slice %arg6[%rem3A_137, %dma_wait3A_160] : memref<3x128xi32, #tpu.memory_space<vmem>> -> memref<1x128xi32, #tpu.memory_space<vmem>>
      %dma_wait3A_162 = tpu.memref_squeeze %dma_wait3A_161 : memref<1x128xi32, #tpu.memory_space<vmem>> -> memref<128xi32, #tpu.memory_space<vmem>>
      %dma_wait3A_163 = arith.constant 0 : i32
      %dma_wait3A_164 = arith.constant 0 : i32
      %dma_wait3A_165 = tpu.memref_slice %arg2[%dma_wait3A_163, %dma_wait3A_164] : memref<10112x128xf32, #tpu.memory_space<hbm>> -> memref<10112x128xf32, #tpu.memory_space<hbm>>
      tpu.wait_indirect_dma semaphore(%arg10 : memref<!tpu.dma_semaphore, #tpu.memory_space<semaphore_mem>>) src(%dma_wait3A_165 : memref<10112x128xf32, #tpu.memory_space<hbm>>) dst(%dma_wait3A_159 : memref<128x128xf32, #tpu.memory_space<vmem>>)
      %gt3A = arith.constant 1 : i32
      %gt3A_166 = arith.cmpi sgt, %scan3A_129, %gt3A : i32
      %convert_element_type3A = arith.extui %gt3A_166 : i1 to i32
      %cond3A = arith.constant 0 : i32
      %cond3A_167 = arith.cmpi ne, %convert_element_type3A, %cond3A : i32
      scf.if %cond3A_167 {
        %dma_wait3A_190 = arith.constant 0 : i32
        %dma_wait3A_191 = arith.constant 0 : i32
        %dma_wait3A_192 = tpu.memref_slice %arg8[%rem3A_135, %dma_wait3A_190, %dma_wait3A_191] : memref<3x128x128xf32, #tpu.memory_space<vmem>> -> memref<1x128x128xf32, #tpu.memory_space<vmem>>
        %dma_wait3A_193 = tpu.memref_squeeze %dma_wait3A_192 : memref<1x128x128xf32, #tpu.memory_space<vmem>> -> memref<128x128xf32, #tpu.memory_space<vmem>>
        %dma_wait3A_194 = arith.constant 0 : i32
        %dma_wait3A_195 = tpu.memref_slice %arg7[%rem3A_147, %dma_wait3A_194] : memref<4x128xi32, #tpu.memory_space<vmem>> -> memref<1x128xi32, #tpu.memory_space<vmem>>
        %dma_wait3A_196 = tpu.memref_squeeze %dma_wait3A_195 : memref<1x128xi32, #tpu.memory_space<vmem>> -> memref<128xi32, #tpu.memory_space<vmem>>
        %dma_wait3A_197 = arith.constant 0 : i32
        %dma_wait3A_198 = arith.constant 0 : i32
        %dma_wait3A_199 = tpu.memref_slice %arg9[%dma_wait3A_197, %dma_wait3A_198] : memref<10112x128xf32, #tpu.memory_space<vmem_shared>> -> memref<10112x128xf32, #tpu.memory_space<vmem_shared>>
        tpu.wait_indirect_dma semaphore(%arg11 : memref<!tpu.dma_semaphore, #tpu.memory_space<semaphore_mem>>) src(%dma_wait3A_193 : memref<128x128xf32, #tpu.memory_space<vmem>>) dst(%dma_wait3A_199 : memref<10112x128xf32, #tpu.memory_space<vmem_shared>>)
      } else {
      }
      %add3A_168 = arith.constant 2 : i32
      %add3A_169 = arith.addi %scan3A_129, %add3A_168 : i32
      %le3A = arith.constant 78 : i32
      %le3A_170 = arith.cmpi sle, %add3A_169, %le3A : i32
      %convert_element_type3A_171 = arith.extui %le3A_170 : i1 to i32
      %cond3A_172 = arith.constant 0 : i32
      %cond3A_173 = arith.cmpi ne, %convert_element_type3A_171, %cond3A_172 : i32
      scf.if %cond3A_173 {
        %add3A_190 = arith.constant 2 : i32
        %add3A_191 = arith.addi %scan3A_129, %add3A_190 : i32
        %dma_start3A_192 = arith.constant 0 : i32
        %dma_start3A_193 = tpu.memref_slice %arg6[%rem3A_145, %dma_start3A_192] : memref<3x128xi32, #tpu.memory_space<vmem>> -> memref<1x128xi32, #tpu.memory_space<vmem>>
        %dma_start3A_194 = tpu.memref_squeeze %dma_start3A_193 : memref<1x128xi32, #tpu.memory_space<vmem>> -> memref<128xi32, #tpu.memory_space<vmem>>
        %dma_start3A_195 = arith.constant 0 : i32
        %dma_start3A_196 = tpu.memref_slice %arg3[%add3A, %add3A_191, %dma_start3A_195] : memref<32x79x128xi32, #tpu.memory_space<hbm>> -> memref<1x1x128xi32, #tpu.memory_space<hbm>>
        %dma_start3A_197 = tpu.memref_squeeze %dma_start3A_196 : memref<1x1x128xi32, #tpu.memory_space<hbm>> -> memref<128xi32, #tpu.memory_space<hbm>>
        %dma_start3A_198 = arith.constant 0 : i32
        %dma_start3A_199 = tpu.memref_slice %arg6[%rem3A_145, %dma_start3A_198] : memref<3x128xi32, #tpu.memory_space<vmem>> -> memref<1x128xi32, #tpu.memory_space<vmem>>
        %dma_start3A_200 = tpu.memref_squeeze %dma_start3A_199 : memref<1x128xi32, #tpu.memory_space<vmem>> -> memref<128xi32, #tpu.memory_space<vmem>>
        %dma_start3A_201 = arith.constant 0 : i32
        %dma_start3A_202 = tpu.memref_slice %arg3[%add3A, %add3A_191, %dma_start3A_201] : memref<32x79x128xi32, #tpu.memory_space<hbm>> -> memref<1x1x128xi32, #tpu.memory_space<hbm>>
        %dma_start3A_203 = tpu.memref_squeeze %dma_start3A_202 : memref<1x1x128xi32, #tpu.memory_space<hbm>> -> memref<128xi32, #tpu.memory_space<hbm>>
        tpu.enqueue_dma source(%dma_start3A_203 : memref<128xi32, #tpu.memory_space<hbm>>) target(%dma_start3A_200 : memref<128xi32, #tpu.memory_space<vmem>>) target_semaphore(%arg12 : memref<!tpu.dma_semaphore, #tpu.memory_space<semaphore_mem>>)
        %add3A_204 = arith.constant 2 : i32
        %add3A_205 = arith.addi %scan3A_129, %add3A_204 : i32
        %dma_start3A_206 = arith.constant 0 : i32
        %dma_start3A_207 = tpu.memref_slice %arg7[%rem3A_155, %dma_start3A_206] : memref<4x128xi32, #tpu.memory_space<vmem>> -> memref<1x128xi32, #tpu.memory_space<vmem>>
        %dma_start3A_208 = tpu.memref_squeeze %dma_start3A_207 : memref<1x128xi32, #tpu.memory_space<vmem>> -> memref<128xi32, #tpu.memory_space<vmem>>
        %dma_start3A_209 = arith.constant 0 : i32
        %dma_start3A_210 = tpu.memref_slice %arg4[%add3A, %add3A_205, %dma_start3A_209] : memref<32x79x128xi32, #tpu.memory_space<hbm>> -> memref<1x1x128xi32, #tpu.memory_space<hbm>>
        %dma_start3A_211 = tpu.memref_squeeze %dma_start3A_210 : memref<1x1x128xi32, #tpu.memory_space<hbm>> -> memref<128xi32, #tpu.memory_space<hbm>>
        %dma_start3A_212 = arith.constant 0 : i32
        %dma_start3A_213 = tpu.memref_slice %arg7[%rem3A_155, %dma_start3A_212] : memref<4x128xi32, #tpu.memory_space<vmem>> -> memref<1x128xi32, #tpu.memory_space<vmem>>
        %dma_start3A_214 = tpu.memref_squeeze %dma_start3A_213 : memref<1x128xi32, #tpu.memory_space<vmem>> -> memref<128xi32, #tpu.memory_space<vmem>>
        %dma_start3A_215 = arith.constant 0 : i32
        %dma_start3A_216 = tpu.memref_slice %arg4[%add3A, %add3A_205, %dma_start3A_215] : memref<32x79x128xi32, #tpu.memory_space<hbm>> -> memref<1x1x128xi32, #tpu.memory_space<hbm>>
        %dma_start3A_217 = tpu.memref_squeeze %dma_start3A_216 : memref<1x1x128xi32, #tpu.memory_space<hbm>> -> memref<128xi32, #tpu.memory_space<hbm>>
        tpu.enqueue_dma source(%dma_start3A_217 : memref<128xi32, #tpu.memory_space<hbm>>) target(%dma_start3A_214 : memref<128xi32, #tpu.memory_space<vmem>>) target_semaphore(%arg12 : memref<!tpu.dma_semaphore, #tpu.memory_space<semaphore_mem>>)
      } else {
      }
      %lt3A_174 = arith.constant 78 : i32
      %lt3A_175 = arith.cmpi slt, %scan3A_129, %lt3A_174 : i32
      %convert_element_type3A_176 = arith.extui %lt3A_175 : i1 to i32
      %cond3A_177 = arith.constant 0 : i32
      %cond3A_178 = arith.cmpi ne, %convert_element_type3A_176, %cond3A_177 : i32
      scf.if %cond3A_178 {
        %dma_wait3A_190 = arith.constant 0 : i32
        %dma_wait3A_191 = arith.constant 0 : i32
        %dma_wait3A_192 = tpu.memref_slice %arg6[%rem3A_141, %dma_wait3A_191] : memref<3x128xi32, #tpu.memory_space<vmem>> -> memref<1x128xi32, #tpu.memory_space<vmem>>
        %dma_wait3A_193 = tpu.memref_squeeze %dma_wait3A_192 : memref<1x128xi32, #tpu.memory_space<vmem>> -> memref<128xi32, #tpu.memory_space<vmem>>
        %dma_wait3A_194 = arith.constant 0 : i32
        %dma_wait3A_195 = tpu.memref_slice %arg3[%add3A, %dma_wait3A_190, %dma_wait3A_194] : memref<32x79x128xi32, #tpu.memory_space<hbm>> -> memref<1x1x128xi32, #tpu.memory_space<hbm>>
        %dma_wait3A_196 = tpu.memref_squeeze %dma_wait3A_195 : memref<1x1x128xi32, #tpu.memory_space<hbm>> -> memref<128xi32, #tpu.memory_space<hbm>>
        %dma_wait3A_197 = arith.constant 0 : i32
        %dma_wait3A_198 = tpu.memref_slice %arg6[%rem3A_141, %dma_wait3A_197] : memref<3x128xi32, #tpu.memory_space<vmem>> -> memref<1x128xi32, #tpu.memory_space<vmem>>
        %dma_wait3A_199 = tpu.memref_squeeze %dma_wait3A_198 : memref<1x128xi32, #tpu.memory_space<vmem>> -> memref<128xi32, #tpu.memory_space<vmem>>
        %dma_wait3A_200 = arith.constant 0 : i32
        %dma_wait3A_201 = tpu.memref_slice %arg3[%add3A, %dma_wait3A_190, %dma_wait3A_200] : memref<32x79x128xi32, #tpu.memory_space<hbm>> -> memref<1x1x128xi32, #tpu.memory_space<hbm>>
        %dma_wait3A_202 = tpu.memref_squeeze %dma_wait3A_201 : memref<1x1x128xi32, #tpu.memory_space<hbm>> -> memref<128xi32, #tpu.memory_space<hbm>>
        tpu.wait_dma2 semaphore(%arg12 : memref<!tpu.dma_semaphore, #tpu.memory_space<semaphore_mem>>) src(%dma_wait3A_202 : memref<128xi32, #tpu.memory_space<hbm>>) dst(%dma_wait3A_199 : memref<128xi32, #tpu.memory_space<vmem>>)
        %dma_wait3A_203 = arith.constant 0 : i32
        %dma_wait3A_204 = arith.constant 0 : i32
        %dma_wait3A_205 = tpu.memref_slice %arg7[%rem3A_151, %dma_wait3A_204] : memref<4x128xi32, #tpu.memory_space<vmem>> -> memref<1x128xi32, #tpu.memory_space<vmem>>
        %dma_wait3A_206 = tpu.memref_squeeze %dma_wait3A_205 : memref<1x128xi32, #tpu.memory_space<vmem>> -> memref<128xi32, #tpu.memory_space<vmem>>
        %dma_wait3A_207 = arith.constant 0 : i32
        %dma_wait3A_208 = tpu.memref_slice %arg4[%add3A, %dma_wait3A_203, %dma_wait3A_207] : memref<32x79x128xi32, #tpu.memory_space<hbm>> -> memref<1x1x128xi32, #tpu.memory_space<hbm>>
        %dma_wait3A_209 = tpu.memref_squeeze %dma_wait3A_208 : memref<1x1x128xi32, #tpu.memory_space<hbm>> -> memref<128xi32, #tpu.memory_space<hbm>>
        %dma_wait3A_210 = arith.constant 0 : i32
        %dma_wait3A_211 = tpu.memref_slice %arg7[%rem3A_151, %dma_wait3A_210] : memref<4x128xi32, #tpu.memory_space<vmem>> -> memref<1x128xi32, #tpu.memory_space<vmem>>
        %dma_wait3A_212 = tpu.memref_squeeze %dma_wait3A_211 : memref<1x128xi32, #tpu.memory_space<vmem>> -> memref<128xi32, #tpu.memory_space<vmem>>
        %dma_wait3A_213 = arith.constant 0 : i32
        %dma_wait3A_214 = tpu.memref_slice %arg4[%add3A, %dma_wait3A_203, %dma_wait3A_213] : memref<32x79x128xi32, #tpu.memory_space<hbm>> -> memref<1x1x128xi32, #tpu.memory_space<hbm>>
        %dma_wait3A_215 = tpu.memref_squeeze %dma_wait3A_214 : memref<1x1x128xi32, #tpu.memory_space<hbm>> -> memref<128xi32, #tpu.memory_space<hbm>>
        tpu.wait_dma2 semaphore(%arg12 : memref<!tpu.dma_semaphore, #tpu.memory_space<semaphore_mem>>) src(%dma_wait3A_215 : memref<128xi32, #tpu.memory_space<hbm>>) dst(%dma_wait3A_212 : memref<128xi32, #tpu.memory_space<vmem>>)
        %dma_start3A_216 = arith.constant 0 : i32
        %dma_start3A_217 = arith.constant 0 : i32
        %dma_start3A_218 = tpu.memref_slice %arg8[%rem3A_135, %dma_start3A_216, %dma_start3A_217] : memref<3x128x128xf32, #tpu.memory_space<vmem>> -> memref<1x128x128xf32, #tpu.memory_space<vmem>>
        %dma_start3A_219 = tpu.memref_squeeze %dma_start3A_218 : memref<1x128x128xf32, #tpu.memory_space<vmem>> -> memref<128x128xf32, #tpu.memory_space<vmem>>
        %dma_start3A_220 = arith.constant 0 : i32
        %dma_start3A_221 = tpu.memref_slice %arg6[%rem3A_141, %dma_start3A_220] : memref<3x128xi32, #tpu.memory_space<vmem>> -> memref<1x128xi32, #tpu.memory_space<vmem>>
        %dma_start3A_222 = tpu.memref_squeeze %dma_start3A_221 : memref<1x128xi32, #tpu.memory_space<vmem>> -> memref<128xi32, #tpu.memory_space<vmem>>
        %dma_start3A_223 = arith.constant 0 : i32
        %dma_start3A_224 = arith.constant 0 : i32
        %dma_start3A_225 = tpu.memref_slice %arg2[%dma_start3A_223, %dma_start3A_224] : memref<10112x128xf32, #tpu.memory_space<hbm>> -> memref<10112x128xf32, #tpu.memory_space<hbm>>
        tpu.enqueue_indirect_dma source(%dma_start3A_225 : memref<10112x128xf32, #tpu.memory_space<hbm>>) target(%dma_start3A_219 : memref<128x128xf32, #tpu.memory_space<vmem>>) offsets(%dma_start3A_222 : memref<128xi32, #tpu.memory_space<vmem>>) semaphore(%arg10 : memref<!tpu.dma_semaphore, #tpu.memory_space<semaphore_mem>>)
      } else {
      }
      %dma_start3A_179 = arith.constant 0 : i32
      %dma_start3A_180 = arith.constant 0 : i32
      %dma_start3A_181 = tpu.memref_slice %arg8[%rem3A_131, %dma_start3A_179, %dma_start3A_180] : memref<3x128x128xf32, #tpu.memory_space<vmem>> -> memref<1x128x128xf32, #tpu.memory_space<vmem>>
      %dma_start3A_182 = tpu.memref_squeeze %dma_start3A_181 : memref<1x128x128xf32, #tpu.memory_space<vmem>> -> memref<128x128xf32, #tpu.memory_space<vmem>>
      %dma_start3A_183 = arith.constant 0 : i32
      %dma_start3A_184 = tpu.memref_slice %arg7[%rem3A_147, %dma_start3A_183] : memref<4x128xi32, #tpu.memory_space<vmem>> -> memref<1x128xi32, #tpu.memory_space<vmem>>
      %dma_start3A_185 = tpu.memref_squeeze %dma_start3A_184 : memref<1x128xi32, #tpu.memory_space<vmem>> -> memref<128xi32, #tpu.memory_space<vmem>>
      %dma_start3A_186 = arith.constant 0 : i32
      %dma_start3A_187 = arith.constant 0 : i32
      %dma_start3A_188 = tpu.memref_slice %arg9[%dma_start3A_186, %dma_start3A_187] : memref<10112x128xf32, #tpu.memory_space<vmem_shared>> -> memref<10112x128xf32, #tpu.memory_space<vmem_shared>>
      tpu.enqueue_indirect_dma source(%dma_start3A_182 : memref<128x128xf32, #tpu.memory_space<vmem>>) target(%dma_start3A_188 : memref<10112x128xf32, #tpu.memory_space<vmem_shared>>) offsets(%dma_start3A_185 : memref<128xi32, #tpu.memory_space<vmem>>) semaphore(%arg11 : memref<!tpu.dma_semaphore, #tpu.memory_space<semaphore_mem>>) {add = true}
      %scan3A_189 = arith.constant 0 : i32
      scf.yield %scan3A_189 : i32
    }
    %scan3A_80 = arith.constant 79 : i32
    %dma_wait3A = arith.constant 0 : i32
    %dma_wait3A_81 = arith.constant 0 : i32
    %dma_wait3A_82 = arith.constant 0 : i32
    %dma_wait3A_83 = arith.constant 0 : i32
    %dma_wait3A_84 = tpu.memref_slice %arg8[%dma_wait3A, %dma_wait3A_82, %dma_wait3A_83] : memref<3x128x128xf32, #tpu.memory_space<vmem>> -> memref<1x128x128xf32, #tpu.memory_space<vmem>>
    %dma_wait3A_85 = tpu.memref_squeeze %dma_wait3A_84 : memref<1x128x128xf32, #tpu.memory_space<vmem>> -> memref<128x128xf32, #tpu.memory_space<vmem>>
    %dma_wait3A_86 = arith.constant 0 : i32
    %dma_wait3A_87 = tpu.memref_slice %arg7[%dma_wait3A_81, %dma_wait3A_86] : memref<4x128xi32, #tpu.memory_space<vmem>> -> memref<1x128xi32, #tpu.memory_space<vmem>>
    %dma_wait3A_88 = tpu.memref_squeeze %dma_wait3A_87 : memref<1x128xi32, #tpu.memory_space<vmem>> -> memref<128xi32, #tpu.memory_space<vmem>>
    %dma_wait3A_89 = arith.constant 0 : i32
    %dma_wait3A_90 = arith.constant 0 : i32
    %dma_wait3A_91 = tpu.memref_slice %arg9[%dma_wait3A_89, %dma_wait3A_90] : memref<10112x128xf32, #tpu.memory_space<vmem_shared>> -> memref<10112x128xf32, #tpu.memory_space<vmem_shared>>
    tpu.wait_indirect_dma semaphore(%arg11 : memref<!tpu.dma_semaphore, #tpu.memory_space<semaphore_mem>>) src(%dma_wait3A_85 : memref<128x128xf32, #tpu.memory_space<vmem>>) dst(%dma_wait3A_91 : memref<10112x128xf32, #tpu.memory_space<vmem_shared>>)
    %dma_wait3A_92 = arith.constant 0 : i32
    %dma_wait3A_93 = arith.constant 0 : i32
    %dma_wait3A_94 = arith.constant 0 : i32
    %dma_wait3A_95 = arith.constant 0 : i32
    %dma_wait3A_96 = tpu.memref_slice %arg8[%dma_wait3A_92, %dma_wait3A_94, %dma_wait3A_95] : memref<3x128x128xf32, #tpu.memory_space<vmem>> -> memref<1x128x128xf32, #tpu.memory_space<vmem>>
    %dma_wait3A_97 = tpu.memref_squeeze %dma_wait3A_96 : memref<1x128x128xf32, #tpu.memory_space<vmem>> -> memref<128x128xf32, #tpu.memory_space<vmem>>
    %dma_wait3A_98 = arith.constant 0 : i32
    %dma_wait3A_99 = tpu.memref_slice %arg7[%dma_wait3A_93, %dma_wait3A_98] : memref<4x128xi32, #tpu.memory_space<vmem>> -> memref<1x128xi32, #tpu.memory_space<vmem>>
    %dma_wait3A_100 = tpu.memref_squeeze %dma_wait3A_99 : memref<1x128xi32, #tpu.memory_space<vmem>> -> memref<128xi32, #tpu.memory_space<vmem>>
    %dma_wait3A_101 = arith.constant 0 : i32
    %dma_wait3A_102 = arith.constant 0 : i32
    %dma_wait3A_103 = tpu.memref_slice %arg9[%dma_wait3A_101, %dma_wait3A_102] : memref<10112x128xf32, #tpu.memory_space<vmem_shared>> -> memref<10112x128xf32, #tpu.memory_space<vmem_shared>>
    tpu.wait_indirect_dma semaphore(%arg11 : memref<!tpu.dma_semaphore, #tpu.memory_space<semaphore_mem>>) src(%dma_wait3A_97 : memref<128x128xf32, #tpu.memory_space<vmem>>) dst(%dma_wait3A_103 : memref<10112x128xf32, #tpu.memory_space<vmem_shared>>)
    %barrier3A_104 = arith.constant 0 : index
    tpu.barrier barrier_id(%barrier3A_104)
    %while3A_105 = arith.constant 0 : i32
    %while3A_106 = arith.constant 0 : i32
    %while3A_107 = arith.subi %select_n3A, %while3A_105 : i32
    %while3A_108 = arith.addi %while3A_105, %while3A_107 : i32
    %while3A_109 = arith.constant 1 : i32
    %while3A_110 = arith.divsi %while3A_107, %while3A_109 : i32
    %while3A_111 = arith.muli %while3A_110, %while3A_109 : i32
    %while3A_112 = arith.addi %while3A_105, %while3A_111 : i32
    %while3A_113 = arith.constant 1 : i32
    %while3A_114 = scf.for %while3A_129 = %while3A_105 to %while3A_112 step %while3A_113 iter_args(%while3A_130 = %while3A_106) -> (i32)  : i32 {
      %mul3A_131 = arith.constant 640 : i32
      %mul3A_132 = arith.muli %arg1, %mul3A_131 : i32
      %mul3A_133 = arith.constant 128 : i32
      %mul3A_134 = arith.muli %while3A_129, %mul3A_133 : i32
      %add3A_135 = arith.addi %mul3A_132, %mul3A_134 : i32
      %dma_start3A_136 = arith.constant 0 : i32
      %dma_start3A_137 = tpu.memref_slice %arg5[%arg0, %add3A_135, %dma_start3A_136] : memref<2x10112x128xf32, #tpu.memory_space<hbm>> -> memref<1x128x128xf32, #tpu.memory_space<hbm>>
      %dma_start3A_138 = tpu.memref_squeeze %dma_start3A_137 : memref<1x128x128xf32, #tpu.memory_space<hbm>> -> memref<128x128xf32, #tpu.memory_space<hbm>>
      %dma_start3A_139 = arith.constant 0 : i32
      %dma_start3A_140 = tpu.memref_slice %arg9[%add3A_135, %dma_start3A_139] : memref<10112x128xf32, #tpu.memory_space<vmem_shared>> -> memref<128x128xf32, #tpu.memory_space<vmem_shared>>
      tpu.enqueue_dma source(%dma_start3A_140 : memref<128x128xf32, #tpu.memory_space<vmem_shared>>) target(%dma_start3A_138 : memref<128x128xf32, #tpu.memory_space<hbm>>) target_semaphore(%arg10 : memref<!tpu.dma_semaphore, #tpu.memory_space<semaphore_mem>>)
      %while3A_141 = arith.constant 0 : i32
      scf.yield %while3A_141 : i32
    }
    %while3A_115 = arith.constant 1 : i32
    %while3A_116 = scf.for %while3A_129 = %while3A_112 to %while3A_108 step %while3A_115 iter_args(%while3A_130 = %while3A_114) -> (i32)  : i32 {
      %mul3A_131 = arith.constant 640 : i32
      %mul3A_132 = arith.muli %arg1, %mul3A_131 : i32
      %mul3A_133 = arith.constant 128 : i32
      %mul3A_134 = arith.muli %while3A_129, %mul3A_133 : i32
      %add3A_135 = arith.addi %mul3A_132, %mul3A_134 : i32
      %dma_start3A_136 = arith.constant 0 : i32
      %dma_start3A_137 = tpu.memref_slice %arg5[%arg0, %add3A_135, %dma_start3A_136] : memref<2x10112x128xf32, #tpu.memory_space<hbm>> -> memref<1x128x128xf32, #tpu.memory_space<hbm>>
      %dma_start3A_138 = tpu.memref_squeeze %dma_start3A_137 : memref<1x128x128xf32, #tpu.memory_space<hbm>> -> memref<128x128xf32, #tpu.memory_space<hbm>>
      %dma_start3A_139 = arith.constant 0 : i32
      %dma_start3A_140 = tpu.memref_slice %arg9[%add3A_135, %dma_start3A_139] : memref<10112x128xf32, #tpu.memory_space<vmem_shared>> -> memref<128x128xf32, #tpu.memory_space<vmem_shared>>
      tpu.enqueue_dma source(%dma_start3A_140 : memref<128x128xf32, #tpu.memory_space<vmem_shared>>) target(%dma_start3A_138 : memref<128x128xf32, #tpu.memory_space<hbm>>) target_semaphore(%arg10 : memref<!tpu.dma_semaphore, #tpu.memory_space<semaphore_mem>>)
      %while3A_141 = arith.constant 0 : i32
      scf.yield %while3A_141 : i32
    }
    %while3A_117 = arith.constant 0 : i32
    %while3A_118 = arith.constant 0 : i32
    %while3A_119 = arith.subi %select_n3A, %while3A_117 : i32
    %while3A_120 = arith.addi %while3A_117, %while3A_119 : i32
    %while3A_121 = arith.constant 1 : i32
    %while3A_122 = arith.divsi %while3A_119, %while3A_121 : i32
    %while3A_123 = arith.muli %while3A_122, %while3A_121 : i32
    %while3A_124 = arith.addi %while3A_117, %while3A_123 : i32
    %while3A_125 = arith.constant 1 : i32
    %while3A_126 = scf.for %while3A_129 = %while3A_117 to %while3A_124 step %while3A_125 iter_args(%while3A_130 = %while3A_118) -> (i32)  : i32 {
      %dma_wait3A_131 = arith.constant 0 : i32
      %dma_wait3A_132 = arith.constant 0 : i32
      %dma_wait3A_133 = tpu.memref_slice %arg5[%arg0, %dma_wait3A_131, %dma_wait3A_132] : memref<2x10112x128xf32, #tpu.memory_space<hbm>> -> memref<1x128x128xf32, #tpu.memory_space<hbm>>
      %dma_wait3A_134 = tpu.memref_squeeze %dma_wait3A_133 : memref<1x128x128xf32, #tpu.memory_space<hbm>> -> memref<128x128xf32, #tpu.memory_space<hbm>>
      %dma_wait3A_135 = arith.constant 0 : i32
      %dma_wait3A_136 = arith.constant 0 : i32
      %dma_wait3A_137 = tpu.memref_slice %arg9[%dma_wait3A_135, %dma_wait3A_136] : memref<10112x128xf32, #tpu.memory_space<vmem_shared>> -> memref<128x128xf32, #tpu.memory_space<vmem_shared>>
      tpu.wait_dma2 semaphore(%arg10 : memref<!tpu.dma_semaphore, #tpu.memory_space<semaphore_mem>>) src(%dma_wait3A_137 : memref<128x128xf32, #tpu.memory_space<vmem_shared>>) dst(%dma_wait3A_134 : memref<128x128xf32, #tpu.memory_space<hbm>>)
      %while3A_138 = arith.constant 0 : i32
      scf.yield %while3A_138 : i32
    }
    %while3A_127 = arith.constant 1 : i32
    %while3A_128 = scf.for %while3A_129 = %while3A_124 to %while3A_120 step %while3A_127 iter_args(%while3A_130 = %while3A_126) -> (i32)  : i32 {
      %dma_wait3A_131 = arith.constant 0 : i32
      %dma_wait3A_132 = arith.constant 0 : i32
      %dma_wait3A_133 = tpu.memref_slice %arg5[%arg0, %dma_wait3A_131, %dma_wait3A_132] : memref<2x10112x128xf32, #tpu.memory_space<hbm>> -> memref<1x128x128xf32, #tpu.memory_space<hbm>>
      %dma_wait3A_134 = tpu.memref_squeeze %dma_wait3A_133 : memref<1x128x128xf32, #tpu.memory_space<hbm>> -> memref<128x128xf32, #tpu.memory_space<hbm>>
      %dma_wait3A_135 = arith.constant 0 : i32
      %dma_wait3A_136 = arith.constant 0 : i32
      %dma_wait3A_137 = tpu.memref_slice %arg9[%dma_wait3A_135, %dma_wait3A_136] : memref<10112x128xf32, #tpu.memory_space<vmem_shared>> -> memref<128x128xf32, #tpu.memory_space<vmem_shared>>
      tpu.wait_dma2 semaphore(%arg10 : memref<!tpu.dma_semaphore, #tpu.memory_space<semaphore_mem>>) src(%dma_wait3A_137 : memref<128x128xf32, #tpu.memory_space<vmem_shared>>) dst(%dma_wait3A_134 : memref<128x128xf32, #tpu.memory_space<hbm>>)
      %while3A_138 = arith.constant 0 : i32
      scf.yield %while3A_138 : i32
    }
    return
  }
}

#map = affine_map<(d0, d1) -> (0, 0, 0)>
#map1 = affine_map<(d0, d1) -> (0, 0)>
module attributes {stable_mosaic.version = 14 : i64} {
  func.func @_deg_call(%arg0: i32, %arg1: i32, %arg2: memref<32x79x128xi32, #tpu.memory_space<hbm>>, %arg3: memref<2x10112xf32, #tpu.memory_space<hbm>>, %arg4: memref<79x128xi32, #tpu.memory_space<vmem>>, %arg5: memref<640xf32, #tpu.memory_space<vmem>>, %arg6: memref<128xf32, #tpu.memory_space<vmem>>, %arg7: memref<10112xf32, #tpu.memory_space<vmem_shared>>, %arg8: memref<!tpu.dma_semaphore, #tpu.memory_space<semaphore_mem>>) attributes {dimension_semantics = [#tpu.dimension_semantics<core_parallel>, #tpu.dimension_semantics<subcore_parallel>], iteration_bounds = array<i64: 2, 16>, scalar_prefetch = 0 : i64, scratch_operands = 5 : i64, tpu.core_type = #tpu.core_type<sc_vector_subcore>, window_params = [{transform_indices = #map}, {transform_indices = #map1}]} {
    %mul3A = arith.constant 16 : i32
    %mul3A_0 = arith.muli %arg0, %mul3A : i32
    %add3A = arith.addi %mul3A_0, %arg1 : i32
    %lt3A = arith.constant 15 : i32
    %lt3A_1 = arith.cmpi slt, %arg1, %lt3A : i32
    %jit3A = arith.constant 640 : i32
    %jit3A_2 = arith.constant 512 : i32
    %select_n3A = arith.select %lt3A_1, %jit3A, %jit3A_2 : i32
    %dma_start3A = arith.constant 0 : i32
    %dma_start3A_3 = arith.constant 0 : i32
    %dma_start3A_4 = tpu.memref_slice %arg2[%add3A, %dma_start3A, %dma_start3A_3] : memref<32x79x128xi32, #tpu.memory_space<hbm>> -> memref<1x79x128xi32, #tpu.memory_space<hbm>>
    %dma_start3A_5 = tpu.memref_squeeze %dma_start3A_4 : memref<1x79x128xi32, #tpu.memory_space<hbm>> -> memref<79x128xi32, #tpu.memory_space<hbm>>
    %dma_start3A_6 = arith.constant 0 : i32
    %dma_start3A_7 = arith.constant 0 : i32
    %dma_start3A_8 = tpu.memref_slice %arg2[%add3A, %dma_start3A_6, %dma_start3A_7] : memref<32x79x128xi32, #tpu.memory_space<hbm>> -> memref<1x79x128xi32, #tpu.memory_space<hbm>>
    %dma_start3A_9 = tpu.memref_squeeze %dma_start3A_8 : memref<1x79x128xi32, #tpu.memory_space<hbm>> -> memref<79x128xi32, #tpu.memory_space<hbm>>
    tpu.enqueue_dma source(%dma_start3A_9 : memref<79x128xi32, #tpu.memory_space<hbm>>) target(%arg4 : memref<79x128xi32, #tpu.memory_space<vmem>>) target_semaphore(%arg8 : memref<!tpu.dma_semaphore, #tpu.memory_space<semaphore_mem>>)
    %scan3A = arith.constant 0 : i32
    %scan3A_10 = arith.constant 0 : i32
    %scan3A_11 = arith.constant 40 : i32
    %scan3A_12 = arith.addi %scan3A_10, %scan3A_11 : i32
    %scan3A_13 = arith.constant 1 : i32
    %scan3A_14 = scf.for %scan3A_62 = %scan3A_10 to %scan3A_12 step %scan3A_13 iter_args(%scan3A_63 = %scan3A) -> (i32)  : i32 {
      %broadcast_in_dim3A = arith.constant 0.000000e+00 : f32
      %broadcast_in_dim3A_64 = vector.broadcast %broadcast_in_dim3A : f32 to vector<16xf32>
      %mul3A_65 = arith.constant 16 : i32
      %mul3A_66 = arith.muli %scan3A_62, %mul3A_65 : i32
      %swap3A = arith.index_cast %mul3A_66 : i32 to index
      %swap3A_67 = tpu.vector_load %arg5[%swap3A] {strides = array<i32>} : memref<640xf32, #tpu.memory_space<vmem>>, vector<16xf32>,
      %swap3A_68 = vector.shape_cast %swap3A_67 : vector<16xf32> to vector<16xf32>
      %swap3A_69 = vector.shape_cast %broadcast_in_dim3A_64 : vector<16xf32> to vector<16xf32>
      tpu.vector_store %arg5[%swap3A], %swap3A_69 {strides = array<i32>} : memref<640xf32, #tpu.memory_space<vmem>>, vector<16xf32>,
      %scan3A_70 = arith.constant 0 : i32
      scf.yield %scan3A_70 : i32
    }
    %scan3A_15 = arith.constant 40 : i32
    %lt3A_16 = arith.constant 15 : i32
    %lt3A_17 = arith.cmpi slt, %arg1, %lt3A_16 : i32
    %convert_element_type3A = arith.extui %lt3A_17 : i1 to i32
    %cond3A = arith.constant 0 : i32
    %cond3A_18 = arith.cmpi ne, %convert_element_type3A, %cond3A : i32
    scf.if %cond3A_18 {
      %mul3A_62 = arith.constant 640 : i32
      %mul3A_63 = arith.muli %arg1, %mul3A_62 : i32
      "tpu.region"() ({
        %run_scoped3A = tpu.sem_alloc : memref<!tpu.dma_semaphore, #tpu.memory_space<semaphore_mem>>
        %dma_start3A_64 = tpu.memref_slice %arg7[%mul3A_63] : memref<10112xf32, #tpu.memory_space<vmem_shared>> -> memref<640xf32, #tpu.memory_space<vmem_shared>>
        %dma_start3A_65 = tpu.memref_slice %arg7[%mul3A_63] : memref<10112xf32, #tpu.memory_space<vmem_shared>> -> memref<640xf32, #tpu.memory_space<vmem_shared>>
        tpu.enqueue_dma source(%arg5 : memref<640xf32, #tpu.memory_space<vmem>>) target(%dma_start3A_65 : memref<640xf32, #tpu.memory_space<vmem_shared>>) target_semaphore(%run_scoped3A : memref<!tpu.dma_semaphore, #tpu.memory_space<semaphore_mem>>)
        %dma_wait3A_66 = tpu.memref_slice %arg7[%mul3A_63] : memref<10112xf32, #tpu.memory_space<vmem_shared>> -> memref<640xf32, #tpu.memory_space<vmem_shared>>
        %dma_wait3A_67 = tpu.memref_slice %arg7[%mul3A_63] : memref<10112xf32, #tpu.memory_space<vmem_shared>> -> memref<640xf32, #tpu.memory_space<vmem_shared>>
        tpu.wait_dma2 semaphore(%run_scoped3A : memref<!tpu.dma_semaphore, #tpu.memory_space<semaphore_mem>>) src(%arg5 : memref<640xf32, #tpu.memory_space<vmem>>) dst(%dma_wait3A_67 : memref<640xf32, #tpu.memory_space<vmem_shared>>)
        tpu.yield
      }) : () -> ()
    } else {
    }
    %eq3A = arith.constant 15 : i32
    %eq3A_19 = arith.cmpi eq, %arg1, %eq3A : i32
    %convert_element_type3A_20 = arith.extui %eq3A_19 : i1 to i32
    %cond3A_21 = arith.constant 0 : i32
    %cond3A_22 = arith.cmpi ne, %convert_element_type3A_20, %cond3A_21 : i32
    scf.if %cond3A_22 {
      "tpu.region"() ({
        %run_scoped3A = tpu.sem_alloc : memref<!tpu.dma_semaphore, #tpu.memory_space<semaphore_mem>>
        %dma_start3A_62 = arith.constant 0 : i32
        %dma_start3A_63 = tpu.memref_slice %arg5[%dma_start3A_62] : memref<640xf32, #tpu.memory_space<vmem>> -> memref<512xf32, #tpu.memory_space<vmem>>
        %dma_start3A_64 = arith.constant 9600 : i32
        %dma_start3A_65 = tpu.memref_slice %arg7[%dma_start3A_64] : memref<10112xf32, #tpu.memory_space<vmem_shared>> -> memref<512xf32, #tpu.memory_space<vmem_shared>>
        %dma_start3A_66 = arith.constant 9600 : i32
        %dma_start3A_67 = tpu.memref_slice %arg7[%dma_start3A_66] : memref<10112xf32, #tpu.memory_space<vmem_shared>> -> memref<512xf32, #tpu.memory_space<vmem_shared>>
        %dma_start3A_68 = arith.constant 0 : i32
        %dma_start3A_69 = tpu.memref_slice %arg5[%dma_start3A_68] : memref<640xf32, #tpu.memory_space<vmem>> -> memref<512xf32, #tpu.memory_space<vmem>>
        tpu.enqueue_dma source(%dma_start3A_69 : memref<512xf32, #tpu.memory_space<vmem>>) target(%dma_start3A_67 : memref<512xf32, #tpu.memory_space<vmem_shared>>) target_semaphore(%run_scoped3A : memref<!tpu.dma_semaphore, #tpu.memory_space<semaphore_mem>>)
        %dma_wait3A_70 = arith.constant 0 : i32
        %dma_wait3A_71 = tpu.memref_slice %arg5[%dma_wait3A_70] : memref<640xf32, #tpu.memory_space<vmem>> -> memref<512xf32, #tpu.memory_space<vmem>>
        %dma_wait3A_72 = arith.constant 9600 : i32
        %dma_wait3A_73 = tpu.memref_slice %arg7[%dma_wait3A_72] : memref<10112xf32, #tpu.memory_space<vmem_shared>> -> memref<512xf32, #tpu.memory_space<vmem_shared>>
        %dma_wait3A_74 = arith.constant 9600 : i32
        %dma_wait3A_75 = tpu.memref_slice %arg7[%dma_wait3A_74] : memref<10112xf32, #tpu.memory_space<vmem_shared>> -> memref<512xf32, #tpu.memory_space<vmem_shared>>
        %dma_wait3A_76 = arith.constant 0 : i32
        %dma_wait3A_77 = tpu.memref_slice %arg5[%dma_wait3A_76] : memref<640xf32, #tpu.memory_space<vmem>> -> memref<512xf32, #tpu.memory_space<vmem>>
        tpu.wait_dma2 semaphore(%run_scoped3A : memref<!tpu.dma_semaphore, #tpu.memory_space<semaphore_mem>>) src(%dma_wait3A_77 : memref<512xf32, #tpu.memory_space<vmem>>) dst(%dma_wait3A_75 : memref<512xf32, #tpu.memory_space<vmem_shared>>)
        tpu.yield
      }) : () -> ()
    } else {
    }
    %scan3A_23 = arith.constant 0 : i32
    %scan3A_24 = arith.constant 0 : i32
    %scan3A_25 = arith.constant 8 : i32
    %scan3A_26 = arith.addi %scan3A_24, %scan3A_25 : i32
    %scan3A_27 = arith.constant 1 : i32
    %scan3A_28 = scf.for %scan3A_62 = %scan3A_24 to %scan3A_26 step %scan3A_27 iter_args(%scan3A_63 = %scan3A_23) -> (i32)  : i32 {
      %broadcast_in_dim3A = arith.constant 1.000000e+00 : f32
      %broadcast_in_dim3A_64 = vector.broadcast %broadcast_in_dim3A : f32 to vector<16xf32>
      %mul3A_65 = arith.constant 16 : i32
      %mul3A_66 = arith.muli %scan3A_62, %mul3A_65 : i32
      %swap3A = arith.index_cast %mul3A_66 : i32 to index
      %swap3A_67 = tpu.vector_load %arg6[%swap3A] {strides = array<i32>} : memref<128xf32, #tpu.memory_space<vmem>>, vector<16xf32>,
      %swap3A_68 = vector.shape_cast %swap3A_67 : vector<16xf32> to vector<16xf32>
      %swap3A_69 = vector.shape_cast %broadcast_in_dim3A_64 : vector<16xf32> to vector<16xf32>
      tpu.vector_store %arg6[%swap3A], %swap3A_69 {strides = array<i32>} : memref<128xf32, #tpu.memory_space<vmem>>, vector<16xf32>,
      %scan3A_70 = arith.constant 0 : i32
      scf.yield %scan3A_70 : i32
    }
    %scan3A_29 = arith.constant 8 : i32
    %dma_wait3A = arith.constant 0 : i32
    %dma_wait3A_30 = arith.constant 0 : i32
    %dma_wait3A_31 = tpu.memref_slice %arg2[%add3A, %dma_wait3A, %dma_wait3A_30] : memref<32x79x128xi32, #tpu.memory_space<hbm>> -> memref<1x79x128xi32, #tpu.memory_space<hbm>>
    %dma_wait3A_32 = tpu.memref_squeeze %dma_wait3A_31 : memref<1x79x128xi32, #tpu.memory_space<hbm>> -> memref<79x128xi32, #tpu.memory_space<hbm>>
    %dma_wait3A_33 = arith.constant 0 : i32
    %dma_wait3A_34 = arith.constant 0 : i32
    %dma_wait3A_35 = tpu.memref_slice %arg2[%add3A, %dma_wait3A_33, %dma_wait3A_34] : memref<32x79x128xi32, #tpu.memory_space<hbm>> -> memref<1x79x128xi32, #tpu.memory_space<hbm>>
    %dma_wait3A_36 = tpu.memref_squeeze %dma_wait3A_35 : memref<1x79x128xi32, #tpu.memory_space<hbm>> -> memref<79x128xi32, #tpu.memory_space<hbm>>
    tpu.wait_dma2 semaphore(%arg8 : memref<!tpu.dma_semaphore, #tpu.memory_space<semaphore_mem>>) src(%dma_wait3A_36 : memref<79x128xi32, #tpu.memory_space<hbm>>) dst(%arg4 : memref<79x128xi32, #tpu.memory_space<vmem>>)
    %barrier3A = arith.constant 0 : index
    tpu.barrier barrier_id(%barrier3A)
    %scan3A_37 = arith.constant 0 : i32
    %scan3A_38 = arith.constant 0 : i32
    %scan3A_39 = arith.constant 79 : i32
    %scan3A_40 = arith.addi %scan3A_38, %scan3A_39 : i32
    %scan3A_41 = arith.constant 1 : i32
    %scan3A_42 = scf.for %scan3A_62 = %scan3A_38 to %scan3A_40 step %scan3A_41 iter_args(%scan3A_63 = %scan3A_37) -> (i32)  : i32 {
      %dma_start3A_64 = arith.constant 0 : i32
      %dma_start3A_65 = tpu.memref_slice %arg4[%scan3A_62, %dma_start3A_64] : memref<79x128xi32, #tpu.memory_space<vmem>> -> memref<1x128xi32, #tpu.memory_space<vmem>>
      %dma_start3A_66 = tpu.memref_squeeze %dma_start3A_65 : memref<1x128xi32, #tpu.memory_space<vmem>> -> memref<128xi32, #tpu.memory_space<vmem>>
      %dma_start3A_67 = arith.constant 0 : i32
      %dma_start3A_68 = tpu.memref_slice %arg7[%dma_start3A_67] : memref<10112xf32, #tpu.memory_space<vmem_shared>> -> memref<10112xf32, #tpu.memory_space<vmem_shared>>
      tpu.enqueue_indirect_dma source(%arg6 : memref<128xf32, #tpu.memory_space<vmem>>) target(%dma_start3A_68 : memref<10112xf32, #tpu.memory_space<vmem_shared>>) offsets(%dma_start3A_66 : memref<128xi32, #tpu.memory_space<vmem>>) semaphore(%arg8 : memref<!tpu.dma_semaphore, #tpu.memory_space<semaphore_mem>>) {add = true}
      %scan3A_69 = arith.constant 0 : i32
      scf.yield %scan3A_69 : i32
    }
    %scan3A_43 = arith.constant 79 : i32
    %scan3A_44 = arith.constant 0 : i32
    %scan3A_45 = arith.constant 0 : i32
    %scan3A_46 = arith.constant 79 : i32
    %scan3A_47 = arith.addi %scan3A_45, %scan3A_46 : i32
    %scan3A_48 = arith.constant 1 : i32
    %scan3A_49 = scf.for %scan3A_62 = %scan3A_45 to %scan3A_47 step %scan3A_48 iter_args(%scan3A_63 = %scan3A_44) -> (i32)  : i32 {
      %dma_wait3A_64 = arith.constant 0 : i32
      %dma_wait3A_65 = arith.constant 0 : i32
      %dma_wait3A_66 = tpu.memref_slice %arg4[%dma_wait3A_64, %dma_wait3A_65] : memref<79x128xi32, #tpu.memory_space<vmem>> -> memref<1x128xi32, #tpu.memory_space<vmem>>
      %dma_wait3A_67 = tpu.memref_squeeze %dma_wait3A_66 : memref<1x128xi32, #tpu.memory_space<vmem>> -> memref<128xi32, #tpu.memory_space<vmem>>
      %dma_wait3A_68 = arith.constant 0 : i32
      %dma_wait3A_69 = tpu.memref_slice %arg7[%dma_wait3A_68] : memref<10112xf32, #tpu.memory_space<vmem_shared>> -> memref<10112xf32, #tpu.memory_space<vmem_shared>>
      tpu.wait_indirect_dma semaphore(%arg8 : memref<!tpu.dma_semaphore, #tpu.memory_space<semaphore_mem>>) src(%arg6 : memref<128xf32, #tpu.memory_space<vmem>>) dst(%dma_wait3A_69 : memref<10112xf32, #tpu.memory_space<vmem_shared>>)
      %scan3A_70 = arith.constant 0 : i32
      scf.yield %scan3A_70 : i32
    }
    %scan3A_50 = arith.constant 79 : i32
    %barrier3A_51 = arith.constant 0 : index
    tpu.barrier barrier_id(%barrier3A_51)
    %lt3A_52 = arith.constant 15 : i32
    %lt3A_53 = arith.cmpi slt, %arg1, %lt3A_52 : i32
    %convert_element_type3A_54 = arith.extui %lt3A_53 : i1 to i32
    %cond3A_55 = arith.constant 0 : i32
    %cond3A_56 = arith.cmpi ne, %convert_element_type3A_54, %cond3A_55 : i32
    scf.if %cond3A_56 {
      %mul3A_62 = arith.constant 640 : i32
      %mul3A_63 = arith.muli %arg1, %mul3A_62 : i32
      %mul3A_64 = arith.constant 640 : i32
      %mul3A_65 = arith.muli %arg1, %mul3A_64 : i32
      "tpu.region"() ({
        %run_scoped3A = tpu.sem_alloc : memref<!tpu.dma_semaphore, #tpu.memory_space<semaphore_mem>>
        %dma_start3A_66 = tpu.memref_slice %arg3[%arg0, %mul3A_65] : memref<2x10112xf32, #tpu.memory_space<hbm>> -> memref<1x640xf32, #tpu.memory_space<hbm>>
        %dma_start3A_67 = tpu.memref_squeeze %dma_start3A_66 : memref<1x640xf32, #tpu.memory_space<hbm>> -> memref<640xf32, #tpu.memory_space<hbm>>
        %dma_start3A_68 = tpu.memref_slice %arg7[%mul3A_63] : memref<10112xf32, #tpu.memory_space<vmem_shared>> -> memref<640xf32, #tpu.memory_space<vmem_shared>>
        tpu.enqueue_dma source(%dma_start3A_68 : memref<640xf32, #tpu.memory_space<vmem_shared>>) target(%dma_start3A_67 : memref<640xf32, #tpu.memory_space<hbm>>) target_semaphore(%run_scoped3A : memref<!tpu.dma_semaphore, #tpu.memory_space<semaphore_mem>>)
        %dma_wait3A_69 = tpu.memref_slice %arg3[%arg0, %mul3A_65] : memref<2x10112xf32, #tpu.memory_space<hbm>> -> memref<1x640xf32, #tpu.memory_space<hbm>>
        %dma_wait3A_70 = tpu.memref_squeeze %dma_wait3A_69 : memref<1x640xf32, #tpu.memory_space<hbm>> -> memref<640xf32, #tpu.memory_space<hbm>>
        %dma_wait3A_71 = tpu.memref_slice %arg7[%mul3A_63] : memref<10112xf32, #tpu.memory_space<vmem_shared>> -> memref<640xf32, #tpu.memory_space<vmem_shared>>
        tpu.wait_dma2 semaphore(%run_scoped3A : memref<!tpu.dma_semaphore, #tpu.memory_space<semaphore_mem>>) src(%dma_wait3A_71 : memref<640xf32, #tpu.memory_space<vmem_shared>>) dst(%dma_wait3A_70 : memref<640xf32, #tpu.memory_space<hbm>>)
        tpu.yield
      }) : () -> ()
    } else {
    }
    %eq3A_57 = arith.constant 15 : i32
    %eq3A_58 = arith.cmpi eq, %arg1, %eq3A_57 : i32
    %convert_element_type3A_59 = arith.extui %eq3A_58 : i1 to i32
    %cond3A_60 = arith.constant 0 : i32
    %cond3A_61 = arith.cmpi ne, %convert_element_type3A_59, %cond3A_60 : i32
    scf.if %cond3A_61 {
      "tpu.region"() ({
        %run_scoped3A = tpu.sem_alloc : memref<!tpu.dma_semaphore, #tpu.memory_space<semaphore_mem>>
        %dma_start3A_62 = arith.constant 9600 : i32
        %dma_start3A_63 = tpu.memref_slice %arg3[%arg0, %dma_start3A_62] : memref<2x10112xf32, #tpu.memory_space<hbm>> -> memref<1x512xf32, #tpu.memory_space<hbm>>
        %dma_start3A_64 = tpu.memref_squeeze %dma_start3A_63 : memref<1x512xf32, #tpu.memory_space<hbm>> -> memref<512xf32, #tpu.memory_space<hbm>>
        %dma_start3A_65 = arith.constant 9600 : i32
        %dma_start3A_66 = tpu.memref_slice %arg7[%dma_start3A_65] : memref<10112xf32, #tpu.memory_space<vmem_shared>> -> memref<512xf32, #tpu.memory_space<vmem_shared>>
        tpu.enqueue_dma source(%dma_start3A_66 : memref<512xf32, #tpu.memory_space<vmem_shared>>) target(%dma_start3A_64 : memref<512xf32, #tpu.memory_space<hbm>>) target_semaphore(%run_scoped3A : memref<!tpu.dma_semaphore, #tpu.memory_space<semaphore_mem>>)
        %dma_wait3A_67 = arith.constant 9600 : i32
        %dma_wait3A_68 = tpu.memref_slice %arg3[%arg0, %dma_wait3A_67] : memref<2x10112xf32, #tpu.memory_space<hbm>> -> memref<1x512xf32, #tpu.memory_space<hbm>>
        %dma_wait3A_69 = tpu.memref_squeeze %dma_wait3A_68 : memref<1x512xf32, #tpu.memory_space<hbm>> -> memref<512xf32, #tpu.memory_space<hbm>>
        %dma_wait3A_70 = arith.constant 9600 : i32
        %dma_wait3A_71 = tpu.memref_slice %arg7[%dma_wait3A_70] : memref<10112xf32, #tpu.memory_space<vmem_shared>> -> memref<512xf32, #tpu.memory_space<vmem_shared>>
        tpu.wait_dma2 semaphore(%run_scoped3A : memref<!tpu.dma_semaphore, #tpu.memory_space<semaphore_mem>>) src(%dma_wait3A_71 : memref<512xf32, #tpu.memory_space<vmem_shared>>) dst(%dma_wait3A_69 : memref<512xf32, #tpu.memory_space<hbm>>)
        tpu.yield
      }) : () -> ()
    } else {
    }
    return
  }
}

module attributes {stable_mosaic.version = 14 : i64} {
  func.func @_tc_transform_body(%arg0: memref<10000x128xf32, #tpu.memory_space<vmem>>, %arg1: memref<128x128xf32, #tpu.memory_space<vmem>>, %arg2: memref<2x79x128xf32, #tpu.memory_space<vmem>>, %arg3: memref<10112x128xf32, #tpu.memory_space<vmem>>) attributes {dimension_semantics = [], scalar_prefetch = 0 : i64, scratch_operands = 0 : i64, tpu.core_type = #tpu.core_type<tc>} {
    %get3A = arith.constant 0 : index
    %get3A_0 = arith.constant 0 : index
    %get3A_1 = arith.constant 0 : index
    %get3A_2 = vector.load %arg2[%get3A, %get3A_0, %get3A_1] : memref<2x79x128xf32, #tpu.memory_space<vmem>>, vector<1x79x128xf32>
    %get3A_3 = vector.shape_cast %get3A_2 : vector<1x79x128xf32> to vector<79x128xf32>
    %get3A_4 = arith.constant 1 : index
    %get3A_5 = arith.constant 0 : index
    %get3A_6 = arith.constant 0 : index
    %get3A_7 = vector.load %arg2[%get3A_4, %get3A_5, %get3A_6] : memref<2x79x128xf32, #tpu.memory_space<vmem>>, vector<1x79x128xf32>
    %get3A_8 = vector.shape_cast %get3A_7 : vector<1x79x128xf32> to vector<79x128xf32>
    %add3A = arith.addf %get3A_3, %get3A_8 : vector<79x128xf32>
    %gt3A = arith.constant 0.000000e+00 : f32
    %gt3A_9 = vector.broadcast %gt3A : f32 to vector<79x128xf32>
    %gt3A_10 = arith.cmpf ogt, %add3A, %gt3A_9 : vector<79x128xf32>
    %rsqrt3A = math.rsqrt %add3A : vector<79x128xf32>
    %jit3A = arith.constant 0.000000e+00 : f32
    %broadcast_in_dim3A = vector.broadcast %jit3A : f32 to vector<79x128xf32>
    %select_n3A = arith.select %gt3A_10, %rsqrt3A, %broadcast_in_dim3A : vector<79x128xi1>, vector<79x128xf32>
    %get3A_11 = arith.constant 0 : index
    %get3A_12 = arith.constant 0 : index
    %get3A_13 = vector.load %arg0[%get3A_11, %get3A_12] : memref<10000x128xf32, #tpu.memory_space<vmem>>, vector<10000x128xf32>
    %get3A_14 = arith.constant 0 : index
    %get3A_15 = arith.constant 0 : index
    %get3A_16 = vector.load %arg1[%get3A_14, %get3A_15] : memref<128x128xf32, #tpu.memory_space<vmem>>, vector<128x128xf32>
    %dot_general3A = arith.constant dense<0.000000e+00> : vector<10000x128xf32>
    %dot_general3A_17 = tpu.matmul %get3A_13, %get3A_16, %dot_general3A {dimension_numbers = #tpu.dot_dimension_numbers<[1], [0], [0], [1], [0, 0, 1, 1], [], []>, transpose_lhs_hint = false} : vector<10000x128xf32>, vector<128x128xf32>, vector<10000x128xf32> -> vector<10000x128xf32>
    %broadcast_in_dim3A_18 = arith.constant 0.000000e+00 : f32
    %broadcast_in_dim3A_19 = vector.broadcast %broadcast_in_dim3A_18 : f32 to vector<112x128xf32>
    %concatenate3A = tpu.concatenate %dot_general3A_17, %broadcast_in_dim3A_19 in 0 : vector<10000x128xf32>, vector<112x128xf32> -> vector<10112x128xf32>
    %reshape3A = vector.shape_cast %concatenate3A : vector<10112x128xf32> to vector<79x128x128xf32>
    %broadcast_in_dim3A_20 = vector.shape_cast %select_n3A : vector<79x128xf32> to vector<79x128x1xf32>
    %mul3A = vector.broadcast %broadcast_in_dim3A_20 : vector<79x128x1xf32> to vector<79x128x128xf32>
    %mul3A_21 = arith.mulf %reshape3A, %mul3A : vector<79x128x128xf32>
    %reshape3A_22 = vector.shape_cast %mul3A_21 : vector<79x128x128xf32> to vector<10112x128xf32>
    %swap3A = arith.constant 0 : index
    %swap3A_23 = arith.constant 0 : index
    %swap3A_24 = vector.load %arg3[%swap3A, %swap3A_23] : memref<10112x128xf32, #tpu.memory_space<vmem>>, vector<10112x128xf32>
    tpu.vector_store %arg3[%swap3A, %swap3A_23], %reshape3A_22 {strides = array<i32>} : memref<10112x128xf32, #tpu.memory_space<vmem>>, vector<10112x128xf32>,
    return
  }
}

module attributes {stable_mosaic.version = 14 : i64} {
  func.func @_tc_final_body(%arg0: memref<2x10112x128xf32, #tpu.memory_space<vmem>>, %arg1: memref<2x79x128xf32, #tpu.memory_space<vmem>>, %arg2: memref<1x128xf32, #tpu.memory_space<vmem>>, %arg3: memref<10000x128xf32, #tpu.memory_space<vmem>>) attributes {dimension_semantics = [], scalar_prefetch = 0 : i64, scratch_operands = 0 : i64, tpu.core_type = #tpu.core_type<tc>} {
    %get3A = arith.constant 0 : index
    %get3A_0 = arith.constant 0 : index
    %get3A_1 = arith.constant 0 : index
    %get3A_2 = vector.load %arg1[%get3A, %get3A_0, %get3A_1] : memref<2x79x128xf32, #tpu.memory_space<vmem>>, vector<1x79x128xf32>
    %get3A_3 = vector.shape_cast %get3A_2 : vector<1x79x128xf32> to vector<79x128xf32>
    %get3A_4 = arith.constant 1 : index
    %get3A_5 = arith.constant 0 : index
    %get3A_6 = arith.constant 0 : index
    %get3A_7 = vector.load %arg1[%get3A_4, %get3A_5, %get3A_6] : memref<2x79x128xf32, #tpu.memory_space<vmem>>, vector<1x79x128xf32>
    %get3A_8 = vector.shape_cast %get3A_7 : vector<1x79x128xf32> to vector<79x128xf32>
    %add3A = arith.addf %get3A_3, %get3A_8 : vector<79x128xf32>
    %gt3A = arith.constant 0.000000e+00 : f32
    %gt3A_9 = vector.broadcast %gt3A : f32 to vector<79x128xf32>
    %gt3A_10 = arith.cmpf ogt, %add3A, %gt3A_9 : vector<79x128xf32>
    %rsqrt3A = math.rsqrt %add3A : vector<79x128xf32>
    %jit3A = arith.constant 0.000000e+00 : f32
    %broadcast_in_dim3A = vector.broadcast %jit3A : f32 to vector<79x128xf32>
    %select_n3A = arith.select %gt3A_10, %rsqrt3A, %broadcast_in_dim3A : vector<79x128xi1>, vector<79x128xf32>
    %get3A_11 = arith.constant 0 : index
    %get3A_12 = arith.constant 0 : index
    %get3A_13 = arith.constant 0 : index
    %get3A_14 = vector.load %arg0[%get3A_11, %get3A_12, %get3A_13] : memref<2x10112x128xf32, #tpu.memory_space<vmem>>, vector<1x10112x128xf32>
    %get3A_15 = vector.shape_cast %get3A_14 : vector<1x10112x128xf32> to vector<10112x128xf32>
    %get3A_16 = arith.constant 1 : index
    %get3A_17 = arith.constant 0 : index
    %get3A_18 = arith.constant 0 : index
    %get3A_19 = vector.load %arg0[%get3A_16, %get3A_17, %get3A_18] : memref<2x10112x128xf32, #tpu.memory_space<vmem>>, vector<1x10112x128xf32>
    %get3A_20 = vector.shape_cast %get3A_19 : vector<1x10112x128xf32> to vector<10112x128xf32>
    %add3A_21 = arith.addf %get3A_15, %get3A_20 : vector<10112x128xf32>
    %reshape3A = vector.shape_cast %add3A_21 : vector<10112x128xf32> to vector<79x128x128xf32>
    %broadcast_in_dim3A_22 = vector.shape_cast %select_n3A : vector<79x128xf32> to vector<79x128x1xf32>
    %mul3A = vector.broadcast %broadcast_in_dim3A_22 : vector<79x128x1xf32> to vector<79x128x128xf32>
    %mul3A_23 = arith.mulf %reshape3A, %mul3A : vector<79x128x128xf32>
    %reshape3A_24 = vector.shape_cast %mul3A_23 : vector<79x128x128xf32> to vector<10112x128xf32>
    %slice3A = vector.extract_strided_slice %reshape3A_24 {offsets = [0, 0], sizes = [10000, 128], strides = [1, 1]} : vector<10112x128xf32> to vector<10000x128xf32>
    %get3A_25 = arith.constant 0 : index
    %get3A_26 = arith.constant 0 : index
    %get3A_27 = vector.load %arg2[%get3A_25, %get3A_26] : memref<1x128xf32, #tpu.memory_space<vmem>>, vector<1x128xf32>
    %add3A_28 = vector.broadcast %get3A_27 : vector<1x128xf32> to vector<10000x128xf32>
    %add3A_29 = arith.addf %slice3A, %add3A_28 : vector<10000x128xf32>
    %swap3A = arith.constant 0 : index
    %swap3A_30 = arith.constant 0 : index
    %swap3A_31 = vector.load %arg3[%swap3A, %swap3A_30] : memref<10000x128xf32, #tpu.memory_space<vmem>>, vector<10000x128xf32>
    tpu.vector_store %arg3[%swap3A, %swap3A_30], %add3A_29 {strides = array<i32>} : memref<10000x128xf32, #tpu.memory_space<vmem>>, vector<10000x128xf32>,
    return
  }
}

</mosaic_0001>

<sc_bundles>
// kernel: kernel.6.cloned.1.call-start
scs
__scs_entry_jumppad:
0x0: {  	(pc) =	sbr.rel $0x88, $3  }
0x1: {  	(tag) =	ssettag $0x0;
	lr =	simm.s32 $0x1  }
0x2: {  	[smem:$0x3F9D] =	sst lr;
	_ =	strace $0xD0000000  }
0x3: {  	_ = 	snop  }
0x4: {  	_ = 	snop  }
0x5: {  	_ = 	snop  }
0x6: {  	_ = 	snop  }
0x7: {  	_ = 	snop  }
__scs_overlays_trampoline_lowered:
0x8: {  	[smem:$0x3FAC] =	sst s0  }
0x9: {  	[smem:$0x3FAD] =	sst s1  }
0xa: {  	[smem:$0x3FAE] =	sst s2  }
0xb: {  	[smem:$0x3FAF] =	sst s3  }
0xc: {  	[smem:$0x3FB0] =	sst s4  }
0xd: {  	[smem:$0x3FB1] =	sst s5  }
0xe: {  	[smem:$0x3FB2] =	sst s6  }
0xf: {  	[smem:$0x3FB3] =	sst s7  }
0x10: {  	[smem:$0x3FB4] =	sst s8  }
0x11: {  	[smem:$0x3FB5] =	sst s9;
	s0 =	simm.s32 @!p0 $0x0  }
0x12: {  	s1 =	sld [smem:$0x3F9B];
	s0 =	simm.s32 @p0 $0x1  }
0x13: {  	[smem:$0x3FB6] =	sst s0;
	s0 =	simm.s32 @!p1 $0x0  }
0x14: {  	s2 =	sld [smem:$0x3F9A];
	s0 =	simm.s32 @p1 $0x1  }
0x15: {  	[smem:$0x3FB7] =	sst s0;
	s0 =	simm.s32 @!p2 $0x0  }
0x16: {  	s3 =	sld [smem:$0x3FDB];
	s0 =	simm.s32 @p2 $0x1  }
0x17: {  	s4 =	simm.s32 $0x1BF5;
	[smem:$0x3FB9] =	sst s0  }
0x18: {  	s0 =	sld [smem:$0x3F9C];
	_ =	swait.ge [sflag:s4], $0x0  }
0x19: {  	s7 =	sld [smem:$0x3F9D]  }
0x1a: {  	s8 =	sadd.s32 $0xFFFFE003, lr  }
0x1b: {  	s9 =	sadd.s32 $0xFFFFFEF7, lr;
	s5 =	simm.s32 $0xFFFFFFFF;
	p2 =	slt.u32 s8, $0xFFFFF086  }
0x1c: {  	p1 =	slt.u32 s9, $0xF7A;
	s5 =	simm.s32 @!p2 $0x0  }
0x1d: {  	s5 =	simm.s32 @p1 $0x1;
	p0 =	seq.s32 s7, s2  }
0x1e: {  	s7 =	smul.u32 @!p0 $0xF7A, s2;
	p2 =	seq.s32 @!p0 s5, $0x0  }
0x1f: {  	s9 =	smul.u32 $0xF7A, s1;
	s8 =	simm.s32 @!p0 $0x1BF5;
	p2 =	por !p2, p0  }
0x20: {  	[sflag:s8] =	ssyncset.s32 @!p0 $0xFFFFF086;
	s6 =	sadd.s32 @!p0 s3, s7;
	s7 =	simm.s32 @!p0 $0x108  }
0x21: {  	s3 =	sadd.s32 s3, s9;
	s6 =	sadd.s32 @!p0 $0x88, s6;
	s7 =	simm.s32 @p2 $0x1082  }
0x22: {  	[simem:s7], [sflag:s8] =	dma.local @!p0 [hbm:s6], $0xF7A  }
0x23: {  	s9 =	sor.u32 $0xD0000000, s2;
	s6 =	simm.s32 $0x108;
	_ =	swait.ge @!p0 [sflag:s8], $0x0  }
0x24: {  	s3 =	sadd.s32 $0x88, s3;
	s6 =	simm.s32 @!p1 $0x1082;
	[sflag:s4] =	ssyncset.s32 $0xFFFFF086  }
0x25: {  	[simem:s6], [sflag:s4] =	dma.local [hbm:s3], $0xF7A  }
0x26: {  	[smem:$0x3F9D] =	sst s1;
	(tag) =	ssettag s2;
	_ =	strace s9  }
0x27: {  	s1 =	sld [smem:$0x3FAD]  }
0x28: {  	s2 =	sld [smem:$0x3FAE]  }
0x29: {  	s4 =	sld [smem:$0x3FB0]  }
0x2a: {  	p0 =	seq.s32 s5, $0x0;
	s5 =	sld [smem:$0x3FB1]  }
0x2b: {  	s6 =	sld [smem:$0x3FB2]  }
0x2c: {  	s7 =	sld [smem:$0x3FB3]  }
0x2d: {  	s3 =	simm.s32 $0x108;
	s8 =	sld [smem:$0x3FB4]  }
0x2e: {  	s3 =	simm.s32 @!p0 $0x1082;
	s9 =	sld [smem:$0x3FB5]  }
0x2f: {  	lr =	sadd.s32 s0, s3;
	s0 =	sld [smem:$0x3FAC]  }
0x30: {  	s3 =	sld [smem:$0x3FAF]  }
0x31: {  	[smem:$0x3FB8] =	sst s10  }
0x32: {  	s10 =	sld [smem:$0x3FB6];
	_ =	sdelay $0x3  }
0x33: {  	p0 =	seq.s32 s10, $0x1;
	s10 =	sld [smem:$0x3FB8];
	_ =	sdelay $0x3  }
0x34: {  	[smem:$0x3FB8] =	sst s10  }
0x35: {  	s10 =	sld [smem:$0x3FB7];
	_ =	sdelay $0x3  }
0x36: {  	p1 =	seq.s32 s10, $0x1;
	s10 =	sld [smem:$0x3FB8];
	_ =	sdelay $0x3  }
0x37: {  	[smem:$0x3FB8] =	sst s10  }
0x38: {  	s10 =	sld [smem:$0x3FB9]  }
0x39: {  	_ = 	snop;
	(pc) =	sbr.ind lr, $3  }
0x3a: {  	_ = 	snop  }
0x3b: {  	_ = 	snop  }
0x3c: {  	p2 =	seq.s32 s10, $0x1;
	s10 =	sld [smem:$0x3FB8]  }
0x3d: {  	_ =	shalt  }
0x3e: {  	_ =	shalt  }
0x3f: {  	_ =	shalt  }
0x40: {  	_ =	shalt  }
0x41: {  	_ =	shalt  }
0x42: {  	_ =	shalt  }
0x43: {  	_ =	shalt  }
0x44: {  	_ =	shalt  }
0x45: {  	_ =	shalt  }
0x46: {  	_ =	shalt  }
0x47: {  	_ =	shalt  }
0x48: {  	_ =	shalt  }
0x49: {  	_ =	shalt  }
0x4a: {  	_ =	shalt  }
0x4b: {  	_ =	shalt  }
0x4c: {  	_ =	shalt  }
0x4d: {  	_ =	shalt  }
0x4e: {  	_ =	shalt  }
0x4f: {  	_ =	shalt  }
0x50: {  	_ =	shalt  }
0x51: {  	_ =	shalt  }
0x52: {  	_ =	shalt  }
0x53: {  	_ =	shalt  }
0x54: {  	_ =	shalt  }
0x55: {  	_ =	shalt  }
0x56: {  	_ =	shalt  }
0x57: {  	_ =	shalt  }
0x58: {  	_ =	shalt  }
0x59: {  	_ =	shalt  }
0x5a: {  	_ =	shalt  }
0x5b: {  	_ =	shalt  }
0x5c: {  	_ =	shalt  }
0x5d: {  	_ =	shalt  }
0x5e: {  	_ =	shalt  }
0x5f: {  	_ =	shalt  }
0x60: {  	_ =	shalt  }
0x61: {  	_ =	shalt  }
0x62: {  	_ =	shalt  }
0x63: {  	_ =	shalt  }
0x64: {  	_ =	shalt  }
0x65: {  	_ =	shalt  }
0x66: {  	_ =	shalt  }
0x67: {  	_ =	shalt  }
0x68: {  	_ =	shalt  }
0x69: {  	_ =	shalt  }
0x6a: {  	_ =	shalt  }
0x6b: {  	_ =	shalt  }
0x6c: {  	_ =	shalt  }
0x6d: {  	_ =	shalt  }
0x6e: {  	_ =	shalt  }
0x6f: {  	_ =	shalt  }
0x70: {  	_ =	shalt  }
0x71: {  	_ =	shalt  }
0x72: {  	_ =	shalt  }
0x73: {  	_ =	shalt  }
0x74: {  	_ =	shalt  }
0x75: {  	_ =	shalt  }
0x76: {  	_ =	shalt  }
0x77: {  	_ =	shalt  }
0x78: {  	_ =	shalt  }
0x79: {  	_ =	shalt  }
0x7a: {  	_ =	shalt  }
0x7b: {  	_ =	shalt  }
0x7c: {  	_ =	shalt  }
0x7d: {  	_ =	shalt  }
0x7e: {  	_ =	shalt  }
0x7f: {  	_ =	shalt  }
0x80: {  	_ =	shalt  }
0x81: {  	_ =	shalt  }
0x82: {  	_ =	shalt  }
0x83: {  	_ =	shalt  }
0x84: {  	_ =	shalt  }
0x85: {  	_ =	shalt  }
0x86: {  	_ =	shalt  }
0x87: {  	_ =	shalt  }
.Lfunc_end0:
.L_simem_size_0:
called_computation_lowered:
.L_overlay_start_0:
0x88: {  	s2 =	sld [smem:$0x3FD9]  }
0x89: {  	s3 =	sld [smem:$0x3FFE];
	_ =	sdelay $0x1  }
0x8a: {  	s1 =	srdreg.scid  }
0x8b: {  	s0 =	sand.u32 $0x1, s1  }
0x8c: {  	s17 =	sshll.u32 s0, $0xA;
	s2 =	sadd.s32 s3, s2  }
0x8d: {  	s2 =	sadd.s32 s2, s17  }
0x8e: {  	[smem:$0x3FC4] =	sst s2  }
0x8f: {  	_ = 	snop  }
0x90: {  	s2 =	sld [smem:$0x3FD0];
	(tm) =	ssettm $0x1  }
0x91: {  	s18 =	sld [smem:$0x3FFB];
	_ =	sdelay $0x3  }
0x92: {  	_ =	strace s18  }
0x93: {  	s3 =	sld [smem:$0x3FFC];
	_ =	sdelay $0x3  }
0x94: {  	_ =	strace s3  }
0x95: {  	s3 =	sld [smem:$0x3FFD];
	_ =	sdelay $0x3  }
0x96: {  	_ =	strace s3  }
0x97: {  	_ =	strace $0x8FFFFFFF  }
0x98: {  	s19 =	sld [smem:$0x3FDB];
	_ =	sdelay $0x1  }
0x99: {  	s4 =	simm.s32 $_scs_section_size  }
0x9a: {  	s5 =	simm.s32 $_size__tile_overlayer_lowered;
	s6 =	simm.s32 $_tile_overlayer_lowered  }
0x9b: {  	s22 =	simm.s32 $0x1BFF;
	s21 =	sshll.u32 s6, $0x1;
	s3 =	sadd.s32 s4, s19  }
0x9c: {  	s7 =	simm.s32 $0x0;
	s20 =	sshll.u32 s5, $0x1;
	s5 =	sadd.s32 s21, s3  }
0x9d: {  	[timem:s7], [sflag:s22] =	dma.local [hbm:s5], s20  }
0x9e: {  	_ =	swait.ge [sflag:s22], s20  }
0x9f: {  	s4 =	ssub.s32 $0x0, s20;
	[sflag:s22] =	ssyncset.done $0x0  }
0xa0: {  	[sflag:s22] =	ssyncadd.s32 s4;
	_ =	sdelay $0x1  }
0xa1: {  	s23 =	simm.s32 $0x1B8B  }
0xa2: {  	_ =	swait.ge [sflag:s23], $0x1  }
0xa3: {  	[sflag:s23] =	ssyncset.done $0x0  }
0xa4: {  	s25 =	simm.s32 $0x1B8E;
	s24 =	sld [smem:$0x3FFE];
	[sflag:s23] =	ssyncadd.s32 $0xFFFFFFFF  }
0xa5: {  	s26 =	simm.s32 $execute0_lowered;
	[smem:$0x3FD2] =	sst s25  }
0xa6: {  	s5 =	sshll.u32 s26, $0x1;
	_ =	strace $0x80000046;
	[dreg:$0x1] =	wrdreg $0xFFFFFFFF  }
0xa7: {  	s28 =	simm.s32 $_size_execute0_lowered;
	s3 =	sadd.s32 s3, s5;
	[dreg:$0x0] =	wrdreg $0x0  }
0xa8: {  	s5 =	sshll.u32 s28, $0x1;
	[dreg:$0x2] =	wrdreg s3  }
0xa9: {  	[dreg:$0x3] =	wrdreg s5  }
0xaa: {  	[dreg:$0x4] =	wrdreg $0xC0  }
0xab: {  	_ =	task [dreg:s7], $0x5FFFF  }
0xac: {  	[dreg:$0x1] =	wrdreg $0xFFFFFFFF  }
0xad: {  	[dreg:$0x0] =	wrdreg $0x60  }
0xae: {  	[dreg:$0x2] =	wrdreg s2  }
0xaf: {  	[dreg:$0x3] =	wrdreg s24  }
0xb0: {  	[dreg:$0x4] =	wrdreg $0x2B000  }
0xb1: {  	[dreg:$0x5] =	wrdreg $0x9  }
0xb2: {  	_ =	task.clear_ibuf [dreg:s7], $0x6FFFF;
	_ =	strace $0x90000046  }
0xb3: {  	s29 =	simm.s32 $0x9;
	_ =	strace $0x80000048  }
0xb4: {  	_ =	swait.ge [sflag:s29], $0x1  }
0xb5: {  	[sflag:s29] =	ssyncadd.s32 $0xFFFFFFFF  }
0xb6: {  	_ =	strace $0x90000048  }
0xb7: {  	_ =	sfence  }
0xb8: {  	s30 =	sld [smem:$0x0];
	_ =	sdelay $0x2  }
0xb9: {  	s31 =	sshll.u32 s1, $0xD;
	s1 =	sshrl.u32 s1, $0x2  }
0xba: {  	s3 =	sand.u32 $0x4000, s31;
	s1 =	sadd.s32 s1, s30  }
0xbb: {  	s0 =	sor.u32 s3, s0;
	s1 =	sshll.u32 s1, $0x11  }
0xbc: {  	s0 =	sor.u32 s1, s0  }
0xbd: {  	s0 =	sadd.s32 $0x8F2B, s0  }
0xbe: {  	[sflag:s0] =	ssyncadd.remote.s32 $0x1  }
0xbf: {  	_ =	sfence.sel $0xFFFF  }
0xc0: {  	[dreg:$0x0] =	wrdreg $0xFFFFFFFF;
	(pc) =	sbr.abs _section_cstart, $3  }
0xc1: {  	[dreg:$0x1] =	wrdreg $0xFFFFFFFF  }
0xc2: {  	_ =	task.clear_ibuf [dreg:s7], $0x2FFFF;
	_ =	strace $0x9FFFFFFF  }
0xc3: {  	(tm) =	ssettm $0x7FFFFFFF  }
tec
execute0_lowered:
.L_overlay_start_1:
0x0: {  	(tag) =	ssettag $0x1  }
0x1: {  	s4 =	rddreg [dreg:$0x0]  }
0x2: {  	s0 =	srdreg.scid;
	s5 =	rddreg [dreg:$0x1]  }
0x3: {  	s2 =	rddreg [dreg:$0x2];
	s1 =	stileid.u32;
	s3 =	simm.s32 $0x0  }
0x4: {  	s16 =	simm.s32 $0x0;
	s6 =	sand.u32 $0x1, s0;
	s0 =	rddreg [dreg:$0x3]  }
0x5: {  	[smem:$0x7FF] =	sst s3;
	s10 =	smul.u32 $0xA00, s1;
	s11 =	sadd.s32 $0x1200, s5  }
0x6: {  	s12 =	smul.u32 $0x500, s1;
	p0 =	seq.s32 s1, $0xF;
	s7 =	sshll.u32 s6, $0x4  }
0x7: {  	_ =	strace $0x80000047;
	s9 =	ssub.s32 $0x2, s6;
	s6 =	sshll.u32 s6, $0x7  }
0x8: {  	s14 =	sshll.u32 @!p0 s1, $0x6;
	s8 =	sor.u32 s1, s7;
	s28 =	sshrl.u32 s9, $0x1  }
0x9: {  	s29 =	sshrl.u32 s10, $0x2;
	s30 =	sor.u32 s6, s12;
	s6 =	sadd.s32 $0x2580, s2  }
0xa: {  	s31 =	sadd.s32 s7, s11;
	s10 =	simm.s32 $0x1;
	s12 =	simm.s32 $0x2A80  }
0xb: {  	s14 =	sor.u32 @!p0 $0x1C02, s14;
	s8 =	smul.u32 $0x500, s8;
	s9 =	ssub.s32 s9, s28  }
0xc: {  	s5 =	sadd.s32 s29, s2;
	s13 =	sshrl.u32 @p0 s6, $0x3;
	s9 =	smax.u32 s9, $0x1  }
0xd: {  	s15 =	sshrl.u32 @!p0 s5, $0x3;
	s4 =	sadd.s32 s4, s8;
	s8 =	sshrl.u32 s30, $0x3  }
0xe: {  	v0 =	vimm.f32 $0.0e+00;
	v1 =	vimm.f32 $1.000000000e+00;
	s7 =	sadd.s32 s11, s8;
	s8 =	sadd.s32 $0x960, s31;
	s11 =	simm.s32 $0x80  }
.LBB2_1:
0xf: {  	[tilespmem:s3], [sflag:$0x1] =	stream.linear.gather [hbm4b:s4+s3], $0x2780, $0x38;
	[tilespmem:$0x2D78] =	vst v63  }
0x10: {  	[tilespmem:$0x2800] =	vst v0  }
0x11: {  	[tilespmem:$0x2810] =	vst v0  }
0x12: {  	[tilespmem:$0x2820] =	vst v0  }
0x13: {  	[tilespmem:$0x2830] =	vst v0  }
0x14: {  	[tilespmem:$0x2840] =	vst v0  }
0x15: {  	[tilespmem:$0x2850] =	vst v0  }
0x16: {  	[tilespmem:$0x2860] =	vst v0  }
0x17: {  	[tilespmem:$0x2870] =	vst v0  }
0x18: {  	[tilespmem:$0x2880] =	vst v0  }
0x19: {  	[tilespmem:$0x2890] =	vst v0  }
0x1a: {  	[tilespmem:$0x28A0] =	vst v0  }
0x1b: {  	[tilespmem:$0x28B0] =	vst v0  }
0x1c: {  	[tilespmem:$0x28C0] =	vst v0  }
0x1d: {  	[tilespmem:$0x28D0] =	vst v0  }
0x1e: {  	[tilespmem:$0x28E0] =	vst v0  }
0x1f: {  	[tilespmem:$0x28F0] =	vst v0  }
0x20: {  	[tilespmem:$0x2900] =	vst v0  }
0x21: {  	[tilespmem:$0x2910] =	vst v0  }
0x22: {  	[tilespmem:$0x2920] =	vst v0  }
0x23: {  	[tilespmem:$0x2930] =	vst v0  }
0x24: {  	[tilespmem:$0x2940] =	vst v0  }
0x25: {  	[tilespmem:$0x2950] =	vst v0  }
0x26: {  	[tilespmem:$0x2960] =	vst v0  }
0x27: {  	[tilespmem:$0x2970] =	vst v0  }
0x28: {  	[tilespmem:$0x2980] =	vst v0  }
0x29: {  	[tilespmem:$0x2990] =	vst v0  }
0x2a: {  	[tilespmem:$0x29A0] =	vst v0  }
0x2b: {  	[tilespmem:$0x29B0] =	vst v0  }
0x2c: {  	[tilespmem:$0x29C0] =	vst v0  }
0x2d: {  	[tilespmem:$0x29D0] =	vst v0  }
0x2e: {  	[tilespmem:$0x29E0] =	vst v0  }
0x2f: {  	[tilespmem:$0x29F0] =	vst v0  }
0x30: {  	[tilespmem:$0x2A00] =	vst v0  }
0x31: {  	[tilespmem:$0x2A10] =	vst v0  }
0x32: {  	[tilespmem:$0x2A20] =	vst v0  }
0x33: {  	[tilespmem:$0x2A30] =	vst v0  }
0x34: {  	[tilespmem:$0x2A40] =	vst v0  }
0x35: {  	[tilespmem:$0x2A50] =	vst v0  }
0x36: {  	[tilespmem:$0x2A60] =	vst v0  }
0x37: {  	s17 =	simm.s32 @p0 $0x2800;
	[tilespmem:$0x2A70] =	vst v0  }
0x38: {  	[spmem:s6] =	stream.linear.scatter @p0 [tilespmem:s17], [sflag:$0x2], $0x200, $0x38;
	[tilespmem:$0x2D78] =	vst v63  }
0x39: {  	s17 =	simm.s32 @p0 $0x2  }
0x3a: {  	_ =	swait.ge @p0 [sflag:s17], $0x200  }
0x3b: {  	[sflag:s17] =	ssyncset.done @p0 $0x0  }
0x3c: {  	[sflag:s17] =	ssyncadd.s32 @p0 $0xFFFFFE00;
	s17 =	simm.s32 @!p0 $0x2800  }
0x3d: {  	[spmem:s5] =	stream.linear.scatter @!p0 [tilespmem:s17], [sflag:$0x2], $0x280, $0x38;
	[tilespmem:$0x2D78] =	vst v63  }
0x3e: {  	s17 =	simm.s32 @!p0 $0x2  }
0x3f: {  	_ =	swait.ge @!p0 [sflag:s17], $0x280  }
0x40: {  	[sflag:s17] =	ssyncset.done @!p0 $0x0  }
0x41: {  	[sflag:s17] =	ssyncadd.s32 @!p0 $0xFFFFFD80  }
0x42: {  	[tilespmem:$0x2A80] =	vst v1  }
0x43: {  	[tilespmem:$0x2A90] =	vst v1  }
0x44: {  	[tilespmem:$0x2AA0] =	vst v1  }
0x45: {  	[tilespmem:$0x2AB0] =	vst v1  }
0x46: {  	[tilespmem:$0x2AC0] =	vst v1  }
0x47: {  	[tilespmem:$0x2AD0] =	vst v1  }
0x48: {  	[tilespmem:$0x2AE0] =	vst v1  }
0x49: {  	[tilespmem:$0x2AF0] =	vst v1  }
0x4a: {  	_ =	swait.ge [sflag:s10], $0x2780  }
0x4b: {  	[sflag:s10] =	ssyncset.done $0x0  }
0x4c: {  	[sflag:s10] =	ssyncadd.s32 $0xFFFFD880  }
0x4d: {  	s17 =	simm.s32 $0x0;
	[bflag:$0x0] =	sbarrier.arrive $0xFFFF  }
.LBB2_2:
0x4e: {  	p1 =	sne.s32 s17, $0x9C00  }
.Ltmp0:
0x4f: {  	_ = 	snop;
	(pc) =	sbr.rel @p1 .LBB2_2-.Ltmp0, $3  }
0x50: {  	_ =	sdelay $0x1  }
0x51: {  	s18 =	sshra.s32 s17, $0x2;
	s17 =	sadd.s32 $0x200, s17  }
0x52: {  	[spmem:s2] =	stream.indirect.scatter.add.f32 [tilespmem:s12], [sflag:$0x1], $0x1, s18, s11, $0xb8;
	[tilespmem:$0x2D78] =	vst v63  }
0x53: {  	_ =	swait.ge [sflag:s10], $0x80  }
0x54: {  	s17 =	simm.s32 $0x4E;
	[sflag:s10] =	ssyncset.done $0x0  }
.LBB2_4:
0x55: {  	p1 =	sne.s32 s17, $0x1;
	s17 =	sadd.s32 $0xFFFFFFFF, s17;
	[sflag:s10] =	ssyncadd.s32 $0xFFFFFF80  }
.Ltmp1:
0x56: {  	(pc) =	sbr.rel @p1 .LBB2_4-.Ltmp1, $3  }
0x57: {  	_ =	sdelay $0x1  }
0x58: {  	_ =	swait.ge [sflag:s10], $0x80  }
0x59: {  	[sflag:s10] =	ssyncset.done $0x0  }
0x5a: {  	[sflag:s10] =	ssyncadd.s32 $0xFFFFFF80;
	s17 =	simm.s32 @p0 $0x1;
	s18 =	simm.s32 @p0 $0x20  }
0x5b: {  	s19 =	simm.s32 @p0 $0x10;
	s20 =	simm.s32 @p0 $0x1FC2;
	[bflag:$0x0] =	sbarrier.arrive $0xFFFF  }
0x5c: {  	[hbm:s8@s18], [sflag:s20] =	dma.strided @p0 [spmem:s13@s19], $0x40, s17, $0x10   }
0x5d: {  	s17 =	simm.s32 @p0 $0x2  }
0x5e: {  	s16 =	sadd.s32 $0x1, s16;
	_ =	swait.ge @p0 [sflag:s17], $0x40  }
0x5f: {  	p1 =	sne.s32 s16, s9;
	s18 =	simm.s32 @!p0 $0x20;
	[sflag:s17] =	ssyncset.done @p0 $0x0  }
0x60: {  	s19 =	simm.s32 @!p0 $0x10;
	[sflag:s17] =	ssyncadd.s32 @p0 $0xFFFFFFC0;
	s17 =	simm.s32 @!p0 $0x1  }
0x61: {  	[hbm:s7@s18], [sflag:s14] =	dma.strided @!p0 [spmem:s15@s19], $0x50, s17, $0x10   }
.Ltmp2:
0x62: {  	_ = 	snop;
	(pc) =	sbr.rel @p1 .LBB2_1-.Ltmp2, $4  }
0x63: {  	s17 =	simm.s32 @!p0 $0x2  }
0x64: {  	_ =	swait.ge @!p0 [sflag:s17], $0x50  }
0x65: {  	[sflag:s17] =	ssyncset.done @!p0 $0x0  }
0x66: {  	[sflag:s17] =	ssyncadd.s32 @!p0 $0xFFFFFFB0  }
0x67: {  	_ =	sfence.sel $0x180000  }
0x68: {  	[bflag:$0x0] =	sbarrier.arrive $0xFFFF  }
0x69: {  	p0 =	sne.s32 s1, $0x0;
	_ =	strace $0x90000047  }
0x6a: {  	s0 =	sadd.s32 @!p0 $0x100000, s0;
	[bflag:$0x2] =	sbarrier.arrive $0xFFFF  }
0x6b: {  	[sflag:s0] =	ssyncadd.tile.s32 @!p0 $0x1;
	_ =	shalt  }
.Lfunc_end2:
_tile_overlayer_lowered:
.L_overlay_start_2:
0x6c: {  	(tag) =	ssettag $0x2  }
0x6d: {  	s0 =	rddreg [dreg:$0x0];
	s2 =	stileid.u32  }
0x6e: {  	s1 =	rddreg [dreg:$0x1];
	p0 =	sne.s32 s2, $0x0  }
0x6f: {  	s3 =	rddreg [dreg:$0x2];
	[bflag:$0x3] =	sbarrier.arrive $0xFFFF;
	s2 =	simm.s32 @!p0 $0x1C02  }
0x70: {  	[timem:s3], [sflag:s2] =	dma.local @!p0 [hbm:s0], s1  }
0x71: {  	s0 =	simm.s32 @!p0 $0x2  }
0x72: {  	_ =	swait.ge @!p0 [sflag:s0], s1  }
0x73: {  	s1 =	ssub.s32 @!p0 $0x0, s1;
	[sflag:s0] =	ssyncset.done @!p0 $0x0  }
0x74: {  	[sflag:s0] =	ssyncadd.s32 @!p0 s1  }
0x75: {  	[bflag:$0x3] =	sbarrier.arrive $0xFFFF  }
0x76: {  	_ =	shalt  }

// kernel: kernel.9.cloned.1.call-start
scs
__scs_entry_jumppad:
0x0: {  	(pc) =	sbr.rel $0x88, $3  }
0x1: {  	(tag) =	ssettag $0x0;
	lr =	simm.s32 $0x1  }
0x2: {  	[smem:$0x3F9D] =	sst lr;
	_ =	strace $0xD0000000  }
0x3: {  	_ = 	snop  }
0x4: {  	_ = 	snop  }
0x5: {  	_ = 	snop  }
0x6: {  	_ = 	snop  }
0x7: {  	_ = 	snop  }
__scs_overlays_trampoline_lowered:
0x8: {  	[smem:$0x3FAC] =	sst s0  }
0x9: {  	[smem:$0x3FAD] =	sst s1  }
0xa: {  	[smem:$0x3FAE] =	sst s2  }
0xb: {  	[smem:$0x3FAF] =	sst s3  }
0xc: {  	[smem:$0x3FB0] =	sst s4  }
0xd: {  	[smem:$0x3FB1] =	sst s5  }
0xe: {  	[smem:$0x3FB2] =	sst s6  }
0xf: {  	[smem:$0x3FB3] =	sst s7  }
0x10: {  	[smem:$0x3FB4] =	sst s8  }
0x11: {  	[smem:$0x3FB5] =	sst s9;
	s0 =	simm.s32 @!p0 $0x0  }
0x12: {  	s1 =	sld [smem:$0x3F9B];
	s0 =	simm.s32 @p0 $0x1  }
0x13: {  	[smem:$0x3FB6] =	sst s0;
	s0 =	simm.s32 @!p1 $0x0  }
0x14: {  	s2 =	sld [smem:$0x3F9A];
	s0 =	simm.s32 @p1 $0x1  }
0x15: {  	[smem:$0x3FB7] =	sst s0;
	s0 =	simm.s32 @!p2 $0x0  }
0x16: {  	s3 =	sld [smem:$0x3FDB];
	s0 =	simm.s32 @p2 $0x1  }
0x17: {  	s4 =	simm.s32 $0x1BF5;
	[smem:$0x3FB9] =	sst s0  }
0x18: {  	s0 =	sld [smem:$0x3F9C];
	_ =	swait.ge [sflag:s4], $0x0  }
0x19: {  	s7 =	sld [smem:$0x3F9D]  }
0x1a: {  	s8 =	sadd.s32 $0xFFFFE003, lr  }
0x1b: {  	s9 =	sadd.s32 $0xFFFFFEF7, lr;
	s5 =	simm.s32 $0xFFFFFFFF;
	p2 =	slt.u32 s8, $0xFFFFF086  }
0x1c: {  	p1 =	slt.u32 s9, $0xF7A;
	s5 =	simm.s32 @!p2 $0x0  }
0x1d: {  	s5 =	simm.s32 @p1 $0x1;
	p0 =	seq.s32 s7, s2  }
0x1e: {  	s7 =	smul.u32 @!p0 $0xF7A, s2;
	p2 =	seq.s32 @!p0 s5, $0x0  }
0x1f: {  	s9 =	smul.u32 $0xF7A, s1;
	s8 =	simm.s32 @!p0 $0x1BF5;
	p2 =	por !p2, p0  }
0x20: {  	[sflag:s8] =	ssyncset.s32 @!p0 $0xFFFFF086;
	s6 =	sadd.s32 @!p0 s3, s7;
	s7 =	simm.s32 @!p0 $0x108  }
0x21: {  	s3 =	sadd.s32 s3, s9;
	s6 =	sadd.s32 @!p0 $0x88, s6;
	s7 =	simm.s32 @p2 $0x1082  }
0x22: {  	[simem:s7], [sflag:s8] =	dma.local @!p0 [hbm:s6], $0xF7A  }
0x23: {  	s9 =	sor.u32 $0xD0000000, s2;
	s6 =	simm.s32 $0x108;
	_ =	swait.ge @!p0 [sflag:s8], $0x0  }
0x24: {  	s3 =	sadd.s32 $0x88, s3;
	s6 =	simm.s32 @!p1 $0x1082;
	[sflag:s4] =	ssyncset.s32 $0xFFFFF086  }
0x25: {  	[simem:s6], [sflag:s4] =	dma.local [hbm:s3], $0xF7A  }
0x26: {  	[smem:$0x3F9D] =	sst s1;
	(tag) =	ssettag s2;
	_ =	strace s9  }
0x27: {  	s1 =	sld [smem:$0x3FAD]  }
0x28: {  	s2 =	sld [smem:$0x3FAE]  }
0x29: {  	s4 =	sld [smem:$0x3FB0]  }
0x2a: {  	p0 =	seq.s32 s5, $0x0;
	s5 =	sld [smem:$0x3FB1]  }
0x2b: {  	s6 =	sld [smem:$0x3FB2]  }
0x2c: {  	s7 =	sld [smem:$0x3FB3]  }
0x2d: {  	s3 =	simm.s32 $0x108;
	s8 =	sld [smem:$0x3FB4]  }
0x2e: {  	s3 =	simm.s32 @!p0 $0x1082;
	s9 =	sld [smem:$0x3FB5]  }
0x2f: {  	lr =	sadd.s32 s0, s3;
	s0 =	sld [smem:$0x3FAC]  }
0x30: {  	s3 =	sld [smem:$0x3FAF]  }
0x31: {  	[smem:$0x3FB8] =	sst s10  }
0x32: {  	s10 =	sld [smem:$0x3FB6];
	_ =	sdelay $0x3  }
0x33: {  	p0 =	seq.s32 s10, $0x1;
	s10 =	sld [smem:$0x3FB8];
	_ =	sdelay $0x3  }
0x34: {  	[smem:$0x3FB8] =	sst s10  }
0x35: {  	s10 =	sld [smem:$0x3FB7];
	_ =	sdelay $0x3  }
0x36: {  	p1 =	seq.s32 s10, $0x1;
	s10 =	sld [smem:$0x3FB8];
	_ =	sdelay $0x3  }
0x37: {  	[smem:$0x3FB8] =	sst s10  }
0x38: {  	s10 =	sld [smem:$0x3FB9]  }
0x39: {  	_ = 	snop;
	(pc) =	sbr.ind lr, $3  }
0x3a: {  	_ = 	snop  }
0x3b: {  	_ = 	snop  }
0x3c: {  	p2 =	seq.s32 s10, $0x1;
	s10 =	sld [smem:$0x3FB8]  }
0x3d: {  	_ =	shalt  }
0x3e: {  	_ =	shalt  }
0x3f: {  	_ =	shalt  }
0x40: {  	_ =	shalt  }
0x41: {  	_ =	shalt  }
0x42: {  	_ =	shalt  }
0x43: {  	_ =	shalt  }
0x44: {  	_ =	shalt  }
0x45: {  	_ =	shalt  }
0x46: {  	_ =	shalt  }
0x47: {  	_ =	shalt  }
0x48: {  	_ =	shalt  }
0x49: {  	_ =	shalt  }
0x4a: {  	_ =	shalt  }
0x4b: {  	_ =	shalt  }
0x4c: {  	_ =	shalt  }
0x4d: {  	_ =	shalt  }
0x4e: {  	_ =	shalt  }
0x4f: {  	_ =	shalt  }
0x50: {  	_ =	shalt  }
0x51: {  	_ =	shalt  }
0x52: {  	_ =	shalt  }
0x53: {  	_ =	shalt  }
0x54: {  	_ =	shalt  }
0x55: {  	_ =	shalt  }
0x56: {  	_ =	shalt  }
0x57: {  	_ =	shalt  }
0x58: {  	_ =	shalt  }
0x59: {  	_ =	shalt  }
0x5a: {  	_ =	shalt  }
0x5b: {  	_ =	shalt  }
0x5c: {  	_ =	shalt  }
0x5d: {  	_ =	shalt  }
0x5e: {  	_ =	shalt  }
0x5f: {  	_ =	shalt  }
0x60: {  	_ =	shalt  }
0x61: {  	_ =	shalt  }
0x62: {  	_ =	shalt  }
0x63: {  	_ =	shalt  }
0x64: {  	_ =	shalt  }
0x65: {  	_ =	shalt  }
0x66: {  	_ =	shalt  }
0x67: {  	_ =	shalt  }
0x68: {  	_ =	shalt  }
0x69: {  	_ =	shalt  }
0x6a: {  	_ =	shalt  }
0x6b: {  	_ =	shalt  }
0x6c: {  	_ =	shalt  }
0x6d: {  	_ =	shalt  }
0x6e: {  	_ =	shalt  }
0x6f: {  	_ =	shalt  }
0x70: {  	_ =	shalt  }
0x71: {  	_ =	shalt  }
0x72: {  	_ =	shalt  }
0x73: {  	_ =	shalt  }
0x74: {  	_ =	shalt  }
0x75: {  	_ =	shalt  }
0x76: {  	_ =	shalt  }
0x77: {  	_ =	shalt  }
0x78: {  	_ =	shalt  }
0x79: {  	_ =	shalt  }
0x7a: {  	_ =	shalt  }
0x7b: {  	_ =	shalt  }
0x7c: {  	_ =	shalt  }
0x7d: {  	_ =	shalt  }
0x7e: {  	_ =	shalt  }
0x7f: {  	_ =	shalt  }
0x80: {  	_ =	shalt  }
0x81: {  	_ =	shalt  }
0x82: {  	_ =	shalt  }
0x83: {  	_ =	shalt  }
0x84: {  	_ =	shalt  }
0x85: {  	_ =	shalt  }
0x86: {  	_ =	shalt  }
0x87: {  	_ =	shalt  }
.Lfunc_end0:
.L_simem_size_0:
called_computation.1_lowered:
.L_overlay_start_0:
0x88: {  	s2 =	sld [smem:$0x3FD9]  }
0x89: {  	s3 =	sld [smem:$0x3FFE];
	_ =	sdelay $0x1  }
0x8a: {  	s1 =	srdreg.scid  }
0x8b: {  	s0 =	sand.u32 $0x1, s1  }
0x8c: {  	s17 =	sshll.u32 s0, $0xA;
	s2 =	sadd.s32 s3, s2  }
0x8d: {  	s2 =	sadd.s32 s2, s17  }
0x8e: {  	[smem:$0x3FC4] =	sst s2  }
0x8f: {  	_ = 	snop  }
0x90: {  	s2 =	sld [smem:$0x3FD0];
	(tm) =	ssettm $0x1  }
0x91: {  	s18 =	sld [smem:$0x3FFB];
	_ =	sdelay $0x3  }
0x92: {  	_ =	strace s18  }
0x93: {  	s3 =	sld [smem:$0x3FFC];
	_ =	sdelay $0x3  }
0x94: {  	_ =	strace s3  }
0x95: {  	s3 =	sld [smem:$0x3FFD];
	_ =	sdelay $0x3  }
0x96: {  	_ =	strace s3  }
0x97: {  	_ =	strace $0x8FFFFFFF  }
0x98: {  	s19 =	sld [smem:$0x3FDB];
	_ =	sdelay $0x1  }
0x99: {  	s4 =	simm.s32 $_scs_section_size  }
0x9a: {  	s5 =	simm.s32 $_size__tile_overlayer_lowered;
	s6 =	simm.s32 $_tile_overlayer_lowered  }
0x9b: {  	s22 =	simm.s32 $0x1BFF;
	s21 =	sshll.u32 s6, $0x1;
	s3 =	sadd.s32 s4, s19  }
0x9c: {  	s7 =	simm.s32 $0x0;
	s20 =	sshll.u32 s5, $0x1;
	s5 =	sadd.s32 s21, s3  }
0x9d: {  	[timem:s7], [sflag:s22] =	dma.local [hbm:s5], s20  }
0x9e: {  	_ =	swait.ge [sflag:s22], s20  }
0x9f: {  	s4 =	ssub.s32 $0x0, s20;
	[sflag:s22] =	ssyncset.done $0x0  }
0xa0: {  	[sflag:s22] =	ssyncadd.s32 s4;
	_ =	sdelay $0x1  }
0xa1: {  	s23 =	simm.s32 $0x1B8B  }
0xa2: {  	_ =	swait.ge [sflag:s23], $0x1  }
0xa3: {  	[sflag:s23] =	ssyncset.done $0x0  }
0xa4: {  	s25 =	simm.s32 $0x1B8E;
	s24 =	sld [smem:$0x3FFE];
	[sflag:s23] =	ssyncadd.s32 $0xFFFFFFFF  }
0xa5: {  	s26 =	simm.s32 $execute0_lowered;
	[smem:$0x3FD2] =	sst s25  }
0xa6: {  	s5 =	sshll.u32 s26, $0x1;
	_ =	strace $0x80000049;
	[dreg:$0x1] =	wrdreg $0xFFFFFFFF  }
0xa7: {  	s28 =	simm.s32 $_size_execute0_lowered;
	s3 =	sadd.s32 s3, s5;
	[dreg:$0x0] =	wrdreg $0x0  }
0xa8: {  	s5 =	sshll.u32 s28, $0x1;
	[dreg:$0x2] =	wrdreg s3  }
0xa9: {  	[dreg:$0x3] =	wrdreg s5  }
0xaa: {  	[dreg:$0x4] =	wrdreg $0xC0  }
0xab: {  	_ =	task [dreg:s7], $0x5FFFF  }
0xac: {  	[dreg:$0x1] =	wrdreg $0xFFFFFFFF  }
0xad: {  	[dreg:$0x0] =	wrdreg $0x60  }
0xae: {  	[dreg:$0x2] =	wrdreg s24  }
0xaf: {  	[dreg:$0x3] =	wrdreg s2  }
0xb0: {  	[dreg:$0x4] =	wrdreg $0xC4000  }
0xb1: {  	[dreg:$0x5] =	wrdreg $0x9  }
0xb2: {  	_ =	task.clear_ibuf [dreg:s7], $0x6FFFF;
	_ =	strace $0x90000049  }
0xb3: {  	s29 =	simm.s32 $0x9;
	_ =	strace $0x8000004B  }
0xb4: {  	_ =	swait.ge [sflag:s29], $0x1  }
0xb5: {  	[sflag:s29] =	ssyncadd.s32 $0xFFFFFFFF  }
0xb6: {  	_ =	strace $0x9000004B  }
0xb7: {  	_ =	sfence  }
0xb8: {  	s30 =	sld [smem:$0x0];
	_ =	sdelay $0x2  }
0xb9: {  	s31 =	sshll.u32 s1, $0xD;
	s1 =	sshrl.u32 s1, $0x2  }
0xba: {  	s3 =	sand.u32 $0x4000, s31;
	s1 =	sadd.s32 s1, s30  }
0xbb: {  	s0 =	sor.u32 s3, s0;
	s1 =	sshll.u32 s1, $0x11  }
0xbc: {  	s0 =	sor.u32 s1, s0  }
0xbd: {  	s0 =	sadd.s32 $0x8F2B, s0  }
0xbe: {  	[sflag:s0] =	ssyncadd.remote.s32 $0x1  }
0xbf: {  	_ =	sfence.sel $0xFFFF  }
0xc0: {  	[dreg:$0x0] =	wrdreg $0xFFFFFFFF;
	(pc) =	sbr.abs _section_cstart, $3  }
0xc1: {  	[dreg:$0x1] =	wrdreg $0xFFFFFFFF  }
0xc2: {  	_ =	task.clear_ibuf [dreg:s7], $0x2FFFF;
	_ =	strace $0x9FFFFFFF  }
0xc3: {  	(tm) =	ssettm $0x7FFFFFFF  }
tec
execute0_lowered:
.L_overlay_start_1:
0x0: {  	(tag) =	ssettag $0x1  }
0x1: {  	s7 =	rddreg [dreg:$0x0]  }
0x2: {  	s1 =	rddreg [dreg:$0x1]  }
0x3: {  	s2 =	rddreg [dreg:$0x2];
	s3 =	srdreg.scid;
	s4 =	simm.s32 $0x0  }
0x4: {  	s18 =	simm.s32 $0x80;
	s19 =	simm.s32 $0x280;
	s20 =	simm.s32 $0x400  }
0x5: {  	s21 =	simm.s32 $0x1;
	s22 =	simm.s32 $0x3;
	s23 =	simm.s32 $0x2  }
0x6: {  	s25 =	simm.s32 $0x0;
	s8 =	sand.u32 $0x1, s3;
	s3 =	stileid.u32  }
0x7: {  	[smem:$0x7FF] =	sst s4;
	s5 =	sadd.s32 $0xBC00, s7;
	s9 =	smul.u32 $0x13C000, s8  }
0x8: {  	s6 =	sadd.s32 $0x1C00, s7;
	s10 =	smul.u32 $0x14000, s3;
	_ =	strace $0x8000004A  }
0x9: {  	s31 =	ssub.s32 $0x2, s8;
	s8 =	sshll.u32 s8, $0x4;
	p0 =	seq.s32 s3, $0xF  }
0xa: {  	s14 =	smul.u32 $0x50000, s3;
	s11 =	sshrl.u32 s31, $0x1;
	s9 =	sadd.s32 s10, s9  }
0xb: {  	s8 =	sor.u32 s3, s8;
	s15 =	ssub.s32 s31, s11;
	s9 =	sshrl.u32 s9, $0x3  }
0xc: {  	s14 =	sshrl.u32 s14, $0x2;
	s16 =	sadd.s32 s9, s7;
	s7 =	smul.u32 $0x2800, s8  }
0xd: {  	s14 =	sadd.s32 s14, s2;
	s15 =	smax.u32 s15, $0x1;
	s9 =	simm.s32 $0x4  }
0xe: {  	s8 =	simm.s32 $0x4;
	s9 =	simm.s32 @!p0 $0x5;
	s12 =	sshrl.u32 s7, $0x3  }
0xf: {  	s16 =	sadd.s32 $0x33400, s16;
	s10 =	sadd.s32 s6, s12;
	s13 =	sor.u32 $0x10, s12  }
0x10: {  	v0 =	vimm.f32 $0.0e+00;
	s11 =	sadd.s32 s1, s12;
	s12 =	sadd.s32 s6, s13;
	s13 =	sadd.s32 s1, s13  }
.LBB2_1:
0x11: {  	[tilespmem:s4], [sflag:$0x4] =	stream.linear.gather [hbm4b:s10+s4], $0x80, $0x38;
	v63 =	vld [tilespmem:$0x0]  }
0x12: {  	_ =	swait.ge [sflag:s8], $0x80  }
0x13: {  	[sflag:s8] =	ssyncset.done $0x0  }
0x14: {  	s0 =	simm.s32 $0x200;
	[sflag:s8] =	ssyncadd.s32 $0xFFFFFF80  }
0x15: {  	[tilespmem:s0], [sflag:$0x4] =	stream.linear.gather [hbm4b:s11+s4], $0x80, $0x38;
	v63 =	vld [tilespmem:$0x0]  }
0x16: {  	_ =	swait.ge [sflag:s8], $0x80  }
0x17: {  	s26 =	sand.u32 $0xFE00, s4;
	[sflag:s8] =	ssyncset.done $0x0  }
0x18: {  	s28 =	sand.u32 $0x70, s4;
	s29 =	sshrl.u32 s26, $0x2;
	[sflag:s8] =	ssyncadd.s32 $0xFFFFFF80  }
0x19: {  	[tilespmem:s18], [sflag:$0x3] =	stream.linear.gather [hbm4b:s12+s4], $0x80, $0x38;
	v63 =	vld [tilespmem:$0x0]  }
0x1a: {  	s26 =	simm.s32 $0x40;
	s29 =	sor.u32 s28, s29;
	s28 =	simm.s32 $0x0  }
0x1b: {  	[tilespmem:s19], [sflag:$0x3] =	stream.linear.gather [hbm4b:s13+s4], $0x80, $0x38;
	v63 =	vld [tilespmem:$0x0]  }
.LBB2_2:
0x1c: {  	p0 =	sne.s32 s26, $0xFFC0  }
0x1d: {  	[tilespmem:s29+$0x400] =	vst v0;
	s28 =	sadd.s32 $0x10, s28;
	s29 =	smov.u32 s26;
	s26 =	sadd.s32 $0x40, s26  }
.Ltmp0:
0x1e: {  	(pc) =	sbr.rel @p0 .LBB2_2-.Ltmp0, $4  }
0x1f: {  	_ = 	snop  }
0x20: {  	s29 =	sand.u32 $0xFE00, s29  }
0x21: {  	s30 =	sand.u32 $0x70, s28;
	s29 =	sshrl.u32 s29, $0x2  }
0x22: {  	s29 =	sor.u32 s30, s29  }
0x23: {  	p0 =	sne.s32 s9, $0x1  }
.Ltmp1:
0x24: {  	_ = 	snop;
	(pc) =	sbr.rel @!p0 .LBB2_5-.Ltmp1, $3  }
0x25: {  	_ =	sdelay $0x1  }
0x26: {  	[tilespmem:s29+$0x400] =	vst v0;
	s26 =	sadd.s32 $0xFFFFFFFF, s9;
	s28 =	smov.u32 s14  }
0x27: {  	[spmem:s14] =	stream.linear.scatter [tilespmem:s20], [sflag:$0x1], $0x4000, $0x38;
	v63 =	vld [tilespmem:$0x0]  }
.LBB2_4:
0x28: {  	p1 =	sne.s32 s26, $0x1  }
.Ltmp2:
0x29: {  	_ = 	snop;
	(pc) =	sbr.rel @p1 .LBB2_4-.Ltmp2, $3  }
0x2a: {  	_ = 	snop  }
0x2b: {  	s26 =	sadd.s32 $0xFFFFFFFF, s26;
	s28 =	sadd.s32 $0x4000, s28;
	_ =	sdelay $0x1  }
0x2c: {  	[spmem:s28] =	stream.linear.scatter [tilespmem:s20], [sflag:$0x1], $0x4000, $0x38;
	v63 =	vld [tilespmem:$0x0]  }
.LBB2_5:
.Ltmp3:
0x2d: {  	(pc) =	sbr.rel @!p0 .LBB2_7-.Ltmp3, $3  }
0x2e: {  	_ =	sdelay $0x1  }
0x2f: {  	_ =	swait.ge [sflag:s21], $0x4000  }
0x30: {  	s26 =	sadd.s32 $0xFFFFFFFF, s9;
	[sflag:s21] =	ssyncset.done $0x0  }
.LBB2_6:
0x31: {  	p1 =	sne.s32 s26, $0x1;
	s26 =	sadd.s32 $0xFFFFFFFF, s26;
	[sflag:s21] =	ssyncadd.s32 $0xFFFFC000  }
.Ltmp4:
0x32: {  	(pc) =	sbr.rel @p1 .LBB2_6-.Ltmp4, $3  }
0x33: {  	_ =	sdelay $0x1  }
0x34: {  	_ =	swait.ge [sflag:s21], $0x4000  }
0x35: {  	[sflag:s21] =	ssyncset.done $0x0  }
.LBB2_7:
.Ltmp5:
0x36: {  	(pc) =	sbr.rel .LBB2_8-.Ltmp5, $4  }
0x37: {  	_ = 	snop  }
0x38: {  	[sflag:s21] =	ssyncadd.s32 $0xFFFFC000;
	s26 =	simm.s32 $0x0  }
0x39: {  	s28 =	simm.s32 $0x400;
	s29 =	simm.s32 $0x100;
	[bflag:$0x0] =	sbarrier.arrive $0xFFFF  }
0x3a: {  	[tilespmem:s28], [sflag:$0x1] =	stream.indirect.gather [hbm4b:s5+s18], $0x80, s26, s18, $0xb8;
	v63 =	vld [tilespmem:$0x0]  }
.LBB2_9:
0x3b: {  	s0 =	sadd.s32 $0x156, s31  }
0x3c: {  	s0 =	sshrl.u32 s0, $0x9  }
0x3d: {  	s0 =	sand.u32 $0x7F, s0  }
0x3e: {  	s0 =	smul.u32 $0x3, s0  }
0x3f: {  	s24 =	sand.u32 $0x7C00, s29  }
0x40: {  	s17 =	sand.u32 $0x380, s29;
	s24 =	sadd.s32 s7, s24;
	s0 =	ssub.s32 s26, s0  }
0x41: {  	s17 =	sor.u32 s17, s24;
	s0 =	sadd.s32 $0x2, s0  }
0x42: {  	s17 =	sshrl.u32 s17, $0x3;
	s0 =	sand.u32 $0xFF, s0  }
0x43: {  	s24 =	sadd.s32 s6, s17;
	s0 =	sshll.u32 s0, $0x7  }
0x44: {  	[tilespmem:s0], [sflag:$0x3] =	stream.linear.gather [hbm4b:s24+s4], $0x80, $0x38;
	v63 =	vld [tilespmem:$0x0]  }
0x45: {  	s24 =	sand.u32 $0x600, s28  }
0x46: {  	s0 =	sshrl.u32 s24, $0x2  }
0x47: {  	s17 =	sadd.s32 s1, s17;
	s0 =	sor.u32 $0x200, s0  }
0x48: {  	[tilespmem:s0], [sflag:$0x3] =	stream.linear.gather [hbm4b:s17+s4], $0x80, $0x38;
	v63 =	vld [tilespmem:$0x0]  }
.LBB2_10:
0x49: {  	s0 =	sadd.s32 $0xAB, s31  }
0x4a: {  	s0 =	sshrl.u32 s0, $0x9  }
0x4b: {  	s0 =	sand.u32 $0x7F, s0  }
0x4c: {  	_ =	swait.ge [sflag:s22], $0x80;
	s0 =	smul.u32 $0x3, s0  }
0x4d: {  	s26 =	sadd.s32 $0x1, s26;
	[sflag:s22] =	ssyncset.done $0x0  }
0x4e: {  	[sflag:s22] =	ssyncadd.s32 $0xFFFFFF80;
	s0 =	ssub.s32 s26, s0  }
0x4f: {  	_ =	swait.ge [sflag:s22], $0x80;
	s0 =	sand.u32 $0xFF, s0  }
0x50: {  	p1 =	sne.s32 s26, $0x4F;
	[sflag:s22] =	ssyncset.done $0x0;
	s17 =	sshll.u32 s0, $0xE  }
0x51: {  	[sflag:s22] =	ssyncadd.s32 $0xFFFFFF80;
	s0 =	sshll.u32 s0, $0x7;
	s17 =	sor.u32 $0x400, s17  }
0x52: {  	[tilespmem:s17], [sflag:$0x1] =	stream.indirect.gather [hbm4b:s5+s18], $0x80, s0, s18, $0xb8;
	v63 =	vld [tilespmem:$0x0]  }
.Ltmp6:
0x53: {  	s31 =	sadd.s32 $0xFFFFFC00, s28;
	(pc) =	sbr.rel @!p1 .LBB2_13-.Ltmp6, $4  }
0x54: {  	s0 =	sand.u32 $0x600, s31  }
0x55: {  	s0 =	sshrl.u32 s0, $0x2  }
0x56: {  	s28 =	sadd.s32 $0x200, s28;
	s29 =	sadd.s32 $0x80, s29;
	s0 =	sor.u32 $0x200, s0  }
0x57: {  	[spmem:s2] =	stream.indirect.scatter.add.f32 [tilespmem:s30], [sflag:$0x2], $0x80, s0, s18, $0xb8;
	v63 =	vld [tilespmem:$0x0]  }
.LBB2_8:
0x58: {  	s31 =	smul.u32 $0xAB, s26;
	_ =	sdelay $0x1  }
0x59: {  	p1 =	slt.u32 s26, $0x2;
	s30 =	sshrl.u32 s31, $0x9  }
0x5a: {  	p2 =	sgt.u32 @!p1 s26, $0x4C;
	s30 =	sand.u32 $0x7F, s30  }
0x5b: {  	_ =	swait.ge [sflag:s21], $0x4000;
	p2 =	por p1, !p2;
	s30 =	smul.u32 $0x3, s30  }
.Ltmp7:
0x5c: {  	[sflag:s21] =	ssyncset.done $0x0;
	(pc) =	sbr.rel @p2 .LBB2_9-.Ltmp7, $4  }
0x5d: {  	s0 =	simm.s32 @!p1 $0x2;
	[sflag:s21] =	ssyncadd.s32 $0xFFFFC000;
	s30 =	ssub.s32 s26, s30  }
0x5e: {  	_ =	swait.ge @!p1 [sflag:s0], $0x4000;
	s30 =	sand.u32 $0xFF, s30  }
0x5f: {  	[sflag:s0] =	ssyncset.done @!p1 $0x0;
	s30 =	sshll.u32 s30, $0xE  }
0x60: {  	[sflag:s0] =	ssyncadd.s32 @!p1 $0xFFFFC000;
	s30 =	sor.u32 $0x400, s30  }
0x61: {  	p1 =	sne.s32 s26, $0x4E  }
.Ltmp8:
0x62: {  	_ = 	snop;
	(pc) =	sbr.rel @p1 .LBB2_10-.Ltmp8, $1  }
0x63: {  	_ =	sdelay $0x3  }
0x64: {  	s0 =	simm.s32 $0x300  }
0x65: {  	[spmem:s2] =	stream.indirect.scatter.add.f32 [tilespmem:s30], [sflag:$0x2], $0x80, s0, s18, $0xb8;
	v63 =	vld [tilespmem:$0x0]  }
.LBB2_13:
0x66: {  	_ =	swait.ge [sflag:s23], $0x4000  }
0x67: {  	[sflag:s23] =	ssyncset.done $0x0  }
0x68: {  	[sflag:s23] =	ssyncadd.s32 $0xFFFFC000  }
.Ltmp9:
0x69: {  	_ =	swait.ge [sflag:s23], $0x4000;
	(pc) =	sbr.rel @!p0 .LBB2_15-.Ltmp9, $4  }
0x6a: {  	s0 =	sshll.u32 s3, $0x6;
	s31 =	sshrl.u32 s14, $0x3;
	[sflag:s23] =	ssyncset.done $0x0  }
0x6b: {  	s28 =	sadd.s32 $0xFFFFFFFF, s9;
	s29 =	sadd.s32 $0x4000, s14;
	[sflag:s23] =	ssyncadd.s32 $0xFFFFC000  }
0x6c: {  	s30 =	smov.u32 s16;
	s26 =	sor.u32 $0x1C01, s0;
	[bflag:$0x0] =	sbarrier.arrive $0xFFFF  }
0x6d: {  	[hbm:s16], [sflag:s26] =	dma.local [spmem:s31], $0x800  }
.LBB2_14:
0x6e: {  	p1 =	sne.s32 s28, $0x1;
	s28 =	sadd.s32 $0xFFFFFFFF, s28  }
.Ltmp10:
0x6f: {  	s0 =	sshrl.u32 s29, $0x3;
	s30 =	sadd.s32 $0x800, s30;
	(pc) =	sbr.rel @p1 .LBB2_14-.Ltmp10, $3  }
0x70: {  	[hbm:s30], [sflag:s26] =	dma.local [spmem:s0], $0x800  }
0x71: {  	_ =	sdelay $0x1  }
0x72: {  	s29 =	sadd.s32 $0x4000, s29  }
.LBB2_15:
.Ltmp11:
0x73: {  	(pc) =	sbr.rel @!p0 .LBB2_17-.Ltmp11, $3  }
0x74: {  	_ =	sdelay $0x1  }
0x75: {  	_ =	swait.ge [sflag:s21], $0x800  }
0x76: {  	s26 =	sadd.s32 $0xFFFFFFFF, s9;
	[sflag:s21] =	ssyncset.done $0x0  }
.LBB2_16:
0x77: {  	p0 =	sne.s32 s26, $0x1;
	s26 =	sadd.s32 $0xFFFFFFFF, s26;
	[sflag:s21] =	ssyncadd.s32 $0xFFFFF800  }
.Ltmp12:
0x78: {  	(pc) =	sbr.rel @p0 .LBB2_16-.Ltmp12, $3  }
0x79: {  	_ =	sdelay $0x1  }
0x7a: {  	_ =	swait.ge [sflag:s21], $0x800  }
0x7b: {  	[sflag:s21] =	ssyncset.done $0x0  }
.LBB2_17:
0x7c: {  	s25 =	sadd.s32 $0x1, s25  }
0x7d: {  	p0 =	sne.s32 s25, s15  }
.Ltmp13:
0x7e: {  	_ = 	snop;
	(pc) =	sbr.rel @p0 .LBB2_1-.Ltmp13, $2  }
0x7f: {  	_ =	sdelay $0x2  }
0x80: {  	[sflag:s21] =	ssyncadd.s32 $0xFFFFF800  }
0x81: {  	_ =	sfence.sel $0x180000  }
0x82: {  	[bflag:$0x0] =	sbarrier.arrive $0xFFFF  }
0x83: {  	_ =	strace $0x9000004A  }
0x84: {  	[bflag:$0x2] =	sbarrier.arrive $0xFFFF  }
0x85: {  	p0 =	sne.s32 s3, $0x0;
	s0 =	rddreg [dreg:$0x3]  }
0x86: {  	s0 =	sadd.s32 @!p0 $0x100000, s0  }
0x87: {  	[sflag:s0] =	ssyncadd.tile.s32 @!p0 $0x1;
	_ =	shalt  }
.Lfunc_end2:
_tile_overlayer_lowered:
.L_overlay_start_2:
0x88: {  	(tag) =	ssettag $0x2  }
0x89: {  	s0 =	rddreg [dreg:$0x0];
	s2 =	stileid.u32  }
0x8a: {  	s1 =	rddreg [dreg:$0x1];
	p0 =	sne.s32 s2, $0x0  }
0x8b: {  	s3 =	rddreg [dreg:$0x2];
	[bflag:$0x3] =	sbarrier.arrive $0xFFFF;
	s2 =	simm.s32 @!p0 $0x1C04  }
0x8c: {  	[timem:s3], [sflag:s2] =	dma.local @!p0 [hbm:s0], s1  }
0x8d: {  	s0 =	simm.s32 @!p0 $0x4  }
0x8e: {  	_ =	swait.ge @!p0 [sflag:s0], s1  }
0x8f: {  	s1 =	ssub.s32 @!p0 $0x0, s1;
	[sflag:s0] =	ssyncset.done @!p0 $0x0  }
0x90: {  	[sflag:s0] =	ssyncadd.s32 @!p0 s1  }
0x91: {  	[bflag:$0x3] =	sbarrier.arrive $0xFFFF  }
0x92: {  	_ =	shalt  }

</sc_bundles>
